<compile_context>
chip_gen: v7x
topology: tpu7x:2x2x1
jax: 0.10.2.dev20260603
libtpu: 0.0.44.dev20260713+nightly
codegen_flags: <defaults>
</compile_context>

<pallas_src>
import functools

import jax
import jax.numpy as jnp
from jax import lax
from jax.experimental import pallas as pl
from jax.experimental.pallas import tpu as pltpu
from jax.experimental.pallas import tpu_sc as plsc

N = 100000
D = 128
K = 64
BLK = 10000
NBLK = N // BLK

ROWS_PER_SUBCORE = 4
LANES = 16


def _tc_body(x_ref, ct_ref, c_ref, packed_ref, cnt_ref, c2_ref):
    i = pl.program_id(0)

    @pl.when(i == 0)
    def _init():
        packed_ref[0:K, :] = jnp.zeros((K, D), jnp.float32)
        cnt_ref[...] = jnp.zeros_like(cnt_ref)
        ct0 = ct_ref[...]
        c2_ref[...] = 0.25 * jnp.sum(ct0 * ct0, axis=0, keepdims=True)

    x = x_ref[...]
    ct = ct_ref[...]
    scores = c2_ref[...] + lax.dot_general(
        x, ct, (((1,), (0,)), ((), ())),
        preferred_element_type=jnp.float32,
    )
    m = jnp.min(scores, axis=1, keepdims=True)
    onehot = jnp.where(scores == m, 1.0, 0.0)

    packed_ref[0:K, :] += lax.dot_general(
        onehot, x, (((0,), (0,)), ((), ())),
        preferred_element_type=jnp.float32,
    )
    cnt_ref[...] += jnp.sum(onehot, axis=0, keepdims=True)

    @pl.when(i == NBLK - 1)
    def _finalize_counts():
        riota = lax.broadcasted_iota(jnp.int32, (K, K), 0)
        ciota = lax.broadcasted_iota(jnp.int32, (K, K), 1)
        eye = jnp.where(riota == ciota, 1.0, 0.0)
        cnt_col = lax.dot_general(
            eye, cnt_ref[...], (((1,), (1,)), ((), ())),
            preferred_element_type=jnp.float32,
        )
        packed_ref[K:2 * K, :] = jnp.broadcast_to(cnt_col, (K, D))
        packed_ref[2 * K:3 * K, :] = c_ref[...]


def _tc_stage(features, centers_t, centers):
    return pl.pallas_call(
        _tc_body,
        grid=(NBLK,),
        in_specs=[
            pl.BlockSpec((BLK, D), lambda i: (i, 0)),
            pl.BlockSpec((D, K), lambda i: (0, 0)),
            pl.BlockSpec((K, D), lambda i: (0, 0)),
        ],
        out_specs=pl.BlockSpec((3 * K, D), lambda i: (0, 0)),
        out_shape=jax.ShapeDtypeStruct((3 * K, D), jnp.float32),
        scratch_shapes=[
            pltpu.VMEM((1, K), jnp.float32),
            pltpu.VMEM((1, K), jnp.float32),
        ],
    )(features, centers_t, centers)


def _sc_finalize(packed):
    mesh = plsc.VectorSubcoreMesh(core_axis_name="c", subcore_axis_name="s", num_cores=1)

    @functools.partial(
        pl.kernel,
        mesh=mesh,
        out_type=jax.ShapeDtypeStruct((K, D), jnp.float32),
        scratch_types=[
            pltpu.VMEM((ROWS_PER_SUBCORE, D), jnp.float32),
            pltpu.VMEM((ROWS_PER_SUBCORE, D), jnp.float32),
            pltpu.VMEM((ROWS_PER_SUBCORE, D), jnp.float32),
            pltpu.VMEM((ROWS_PER_SUBCORE, D), jnp.float32),
        ],
    )
    def sc_kernel(packed_hbm, out_hbm, sums_v, cnt_v, ctr_v, out_v):
        wid = lax.axis_index("s") + lax.axis_index("c")
        base = wid * ROWS_PER_SUBCORE
        pltpu.sync_copy(packed_hbm.at[pl.ds(base, ROWS_PER_SUBCORE)], sums_v)
        pltpu.sync_copy(packed_hbm.at[pl.ds(K + base, ROWS_PER_SUBCORE)], cnt_v)
        pltpu.sync_copy(packed_hbm.at[pl.ds(2 * K + base, ROWS_PER_SUBCORE)], ctr_v)
        for r in range(ROWS_PER_SUBCORE):
            for c in range(D // LANES):
                sl = (r, pl.ds(c * LANES, LANES))
                s = sums_v[sl]
                n = cnt_v[sl]
                out_v[sl] = jnp.where(n > 0.0, s / jnp.maximum(n, 1.0), ctr_v[sl])
        pltpu.sync_copy(out_v, out_hbm.at[pl.ds(base, ROWS_PER_SUBCORE)])

    return sc_kernel(packed)


@functools.partial(jax.jit)
def kernel(features, cluster_centers):
    centers_t = -2.0 * cluster_centers.T
    packed = _tc_stage(features, centers_t, cluster_centers)
    return _sc_finalize(packed)

# --- scband reference (transcript-rebuilt; emitter-appended) ---
"""Pipeline reference for scband-instance-clustering-module-38259568672933 (READ-ONLY COPY).

The authoritative reference and input builder live on the scoring server;
editing this copy changes nothing except your own understanding.
"""

import jax, jax.numpy as jnp
import numpy as np


def setup_inputs(seed: int = 0) -> dict:
    key = jax.random.key(seed)
    k1, k2 = jax.random.split(key)
    features = jax.random.normal(k1, (100000, 128), dtype=jnp.float32)
    # learnable cluster centers parameter, init ~ N(0,1) as in nn.Parameter(torch.randn(...))
    cluster_centers = jax.random.normal(k2, (64, 128), dtype=jnp.float32)
    return {"features": features, "cluster_centers": cluster_centers}


def reference(features, cluster_centers):
    # assign_clusters: torch.cdist (euclidean) via ||f||^2 + ||c||^2 - 2 f c^T
    f2 = jnp.sum(features * features, axis=1, keepdims=True)          # (N, 1)
    c2 = jnp.sum(cluster_centers * cluster_centers, axis=1)           # (K,)
    sq = f2 + c2[None, :] - 2.0 * (features @ cluster_centers.T)      # (N, K)
    dists = jnp.sqrt(jnp.maximum(sq, 0.0))
    cluster_ids = jnp.argmin(dists, axis=1)                            # (N,)
    # get_cluster_features: per-cluster mean, fallback to center for empty clusters
    K = cluster_centers.shape[0]
    sums = jax.ops.segment_sum(features, cluster_ids, num_segments=K)  # (K, D)
    counts = jax.ops.segment_sum(
        jnp.ones((features.shape[0],), dtype=jnp.float32), cluster_ids, num_segments=K
    )                                                                   # (K,)
    means = sums / jnp.maximum(counts, 1.0)[:, None]
    cluster_features = jnp.where((counts > 0)[:, None], means, cluster_centers)
    # forward returns (cluster_features, None) when return_assignments=False
    return cluster_features

if __name__ == "__main__":
    import jax
    _d = setup_inputs()
    print(jax.jit(kernel)(*tuple(_d.values())))

</pallas_src>

<mosaic_0001>
#map = affine_map<(d0, d1) -> (0, 0)>
module attributes {stable_mosaic.version = 14 : i64} {
  func.func @sc_kernel(%arg0: i32, %arg1: i32, %arg2: memref<192x128xf32, #tpu.memory_space<hbm>>, %arg3: memref<64x128xf32, #tpu.memory_space<hbm>>, %arg4: memref<4x128xf32, #tpu.memory_space<vmem>>, %arg5: memref<4x128xf32, #tpu.memory_space<vmem>>, %arg6: memref<4x128xf32, #tpu.memory_space<vmem>>, %arg7: memref<4x128xf32, #tpu.memory_space<vmem>>) attributes {dimension_semantics = [#tpu.dimension_semantics<core_parallel>, #tpu.dimension_semantics<subcore_parallel>], iteration_bounds = array<i64: 1, 16>, scalar_prefetch = 0 : i64, scratch_operands = 4 : i64, tpu.core_type = #tpu.core_type<sc_vector_subcore>, window_params = [{transform_indices = #map}, {transform_indices = #map}]} {
    %add3A = arith.addi %arg1, %arg0 : i32
    %mul3A = arith.constant 4 : i32
    %mul3A_0 = arith.muli %add3A, %mul3A : i32
    "tpu.region"() ({
      %run_scoped3A = tpu.sem_alloc : memref<!tpu.dma_semaphore, #tpu.memory_space<semaphore_mem>>
      %dma_start3A = arith.constant 0 : i32
      %dma_start3A_927 = tpu.memref_slice %arg2[%mul3A_0, %dma_start3A] : memref<192x128xf32, #tpu.memory_space<hbm>> -> memref<4x128xf32, #tpu.memory_space<hbm>>
      %dma_start3A_928 = arith.constant 0 : i32
      %dma_start3A_929 = tpu.memref_slice %arg2[%mul3A_0, %dma_start3A_928] : memref<192x128xf32, #tpu.memory_space<hbm>> -> memref<4x128xf32, #tpu.memory_space<hbm>>
      tpu.enqueue_dma source(%dma_start3A_929 : memref<4x128xf32, #tpu.memory_space<hbm>>) target(%arg4 : memref<4x128xf32, #tpu.memory_space<vmem>>) target_semaphore(%run_scoped3A : memref<!tpu.dma_semaphore, #tpu.memory_space<semaphore_mem>>)
      %dma_wait3A = arith.constant 0 : i32
      %dma_wait3A_930 = tpu.memref_slice %arg2[%mul3A_0, %dma_wait3A] : memref<192x128xf32, #tpu.memory_space<hbm>> -> memref<4x128xf32, #tpu.memory_space<hbm>>
      %dma_wait3A_931 = arith.constant 0 : i32
      %dma_wait3A_932 = tpu.memref_slice %arg2[%mul3A_0, %dma_wait3A_931] : memref<192x128xf32, #tpu.memory_space<hbm>> -> memref<4x128xf32, #tpu.memory_space<hbm>>
      tpu.wait_dma2 semaphore(%run_scoped3A : memref<!tpu.dma_semaphore, #tpu.memory_space<semaphore_mem>>) src(%dma_wait3A_932 : memref<4x128xf32, #tpu.memory_space<hbm>>) dst(%arg4 : memref<4x128xf32, #tpu.memory_space<vmem>>)
      tpu.yield
    }) : () -> ()
    %add3A_1 = arith.constant 64 : i32
    %add3A_2 = arith.addi %add3A_1, %mul3A_0 : i32
    "tpu.region"() ({
      %run_scoped3A = tpu.sem_alloc : memref<!tpu.dma_semaphore, #tpu.memory_space<semaphore_mem>>
      %dma_start3A = arith.constant 0 : i32
      %dma_start3A_927 = tpu.memref_slice %arg2[%add3A_2, %dma_start3A] : memref<192x128xf32, #tpu.memory_space<hbm>> -> memref<4x128xf32, #tpu.memory_space<hbm>>
      %dma_start3A_928 = arith.constant 0 : i32
      %dma_start3A_929 = tpu.memref_slice %arg2[%add3A_2, %dma_start3A_928] : memref<192x128xf32, #tpu.memory_space<hbm>> -> memref<4x128xf32, #tpu.memory_space<hbm>>
      tpu.enqueue_dma source(%dma_start3A_929 : memref<4x128xf32, #tpu.memory_space<hbm>>) target(%arg5 : memref<4x128xf32, #tpu.memory_space<vmem>>) target_semaphore(%run_scoped3A : memref<!tpu.dma_semaphore, #tpu.memory_space<semaphore_mem>>)
      %dma_wait3A = arith.constant 0 : i32
      %dma_wait3A_930 = tpu.memref_slice %arg2[%add3A_2, %dma_wait3A] : memref<192x128xf32, #tpu.memory_space<hbm>> -> memref<4x128xf32, #tpu.memory_space<hbm>>
      %dma_wait3A_931 = arith.constant 0 : i32
      %dma_wait3A_932 = tpu.memref_slice %arg2[%add3A_2, %dma_wait3A_931] : memref<192x128xf32, #tpu.memory_space<hbm>> -> memref<4x128xf32, #tpu.memory_space<hbm>>
      tpu.wait_dma2 semaphore(%run_scoped3A : memref<!tpu.dma_semaphore, #tpu.memory_space<semaphore_mem>>) src(%dma_wait3A_932 : memref<4x128xf32, #tpu.memory_space<hbm>>) dst(%arg5 : memref<4x128xf32, #tpu.memory_space<vmem>>)
      tpu.yield
    }) : () -> ()
    %add3A_3 = arith.constant 128 : i32
    %add3A_4 = arith.addi %add3A_3, %mul3A_0 : i32
    "tpu.region"() ({
      %run_scoped3A = tpu.sem_alloc : memref<!tpu.dma_semaphore, #tpu.memory_space<semaphore_mem>>
      %dma_start3A = arith.constant 0 : i32
      %dma_start3A_927 = tpu.memref_slice %arg2[%add3A_4, %dma_start3A] : memref<192x128xf32, #tpu.memory_space<hbm>> -> memref<4x128xf32, #tpu.memory_space<hbm>>
      %dma_start3A_928 = arith.constant 0 : i32
      %dma_start3A_929 = tpu.memref_slice %arg2[%add3A_4, %dma_start3A_928] : memref<192x128xf32, #tpu.memory_space<hbm>> -> memref<4x128xf32, #tpu.memory_space<hbm>>
      tpu.enqueue_dma source(%dma_start3A_929 : memref<4x128xf32, #tpu.memory_space<hbm>>) target(%arg6 : memref<4x128xf32, #tpu.memory_space<vmem>>) target_semaphore(%run_scoped3A : memref<!tpu.dma_semaphore, #tpu.memory_space<semaphore_mem>>)
      %dma_wait3A = arith.constant 0 : i32
      %dma_wait3A_930 = tpu.memref_slice %arg2[%add3A_4, %dma_wait3A] : memref<192x128xf32, #tpu.memory_space<hbm>> -> memref<4x128xf32, #tpu.memory_space<hbm>>
      %dma_wait3A_931 = arith.constant 0 : i32
      %dma_wait3A_932 = tpu.memref_slice %arg2[%add3A_4, %dma_wait3A_931] : memref<192x128xf32, #tpu.memory_space<hbm>> -> memref<4x128xf32, #tpu.memory_space<hbm>>
      tpu.wait_dma2 semaphore(%run_scoped3A : memref<!tpu.dma_semaphore, #tpu.memory_space<semaphore_mem>>) src(%dma_wait3A_932 : memref<4x128xf32, #tpu.memory_space<hbm>>) dst(%arg6 : memref<4x128xf32, #tpu.memory_space<vmem>>)
      tpu.yield
    }) : () -> ()
    %get3A = arith.constant 0 : i32
    %get3A_5 = arith.index_cast %get3A : i32 to index
    %get3A_6 = arith.constant 0 : index
    %get3A_7 = tpu.vector_load %arg4[%get3A_5, %get3A_6] {strides = array<i32>} : memref<4x128xf32, #tpu.memory_space<vmem>>, vector<1x16xf32>,
    %get3A_8 = vector.shape_cast %get3A_7 : vector<1x16xf32> to vector<16xf32>
    %get3A_9 = arith.constant 0 : i32
    %get3A_10 = arith.index_cast %get3A_9 : i32 to index
    %get3A_11 = arith.constant 0 : index
    %get3A_12 = tpu.vector_load %arg5[%get3A_10, %get3A_11] {strides = array<i32>} : memref<4x128xf32, #tpu.memory_space<vmem>>, vector<1x16xf32>,
    %get3A_13 = vector.shape_cast %get3A_12 : vector<1x16xf32> to vector<16xf32>
    %gt3A = arith.constant 0.000000e+00 : f32
    %gt3A_14 = vector.broadcast %gt3A : f32 to vector<16xf32>
    %gt3A_15 = arith.cmpf ogt, %get3A_13, %gt3A_14 : vector<16xf32>
    %max3A = arith.constant 1.000000e+00 : f32
    %max3A_16 = vector.broadcast %max3A : f32 to vector<16xf32>
    %max3A_17 = arith.maximumf %get3A_13, %max3A_16 : vector<16xf32>
    %div3A = arith.divf %get3A_8, %max3A_17 : vector<16xf32>
    %get3A_18 = arith.constant 0 : i32
    %get3A_19 = arith.index_cast %get3A_18 : i32 to index
    %get3A_20 = arith.constant 0 : index
    %get3A_21 = tpu.vector_load %arg6[%get3A_19, %get3A_20] {strides = array<i32>} : memref<4x128xf32, #tpu.memory_space<vmem>>, vector<1x16xf32>,
    %get3A_22 = vector.shape_cast %get3A_21 : vector<1x16xf32> to vector<16xf32>
    %select_n3A = arith.select %gt3A_15, %div3A, %get3A_22 : vector<16xi1>, vector<16xf32>
    %swap3A = arith.constant 0 : i32
    %swap3A_23 = arith.index_cast %swap3A : i32 to index
    %swap3A_24 = arith.constant 0 : index
    %swap3A_25 = tpu.vector_load %arg7[%swap3A_23, %swap3A_24] {strides = array<i32>} : memref<4x128xf32, #tpu.memory_space<vmem>>, vector<1x16xf32>,
    %swap3A_26 = vector.shape_cast %swap3A_25 : vector<1x16xf32> to vector<16xf32>
    %swap3A_27 = vector.shape_cast %select_n3A : vector<16xf32> to vector<1x16xf32>
    tpu.vector_store %arg7[%swap3A_23, %swap3A_24], %swap3A_27 {strides = array<i32>} : memref<4x128xf32, #tpu.memory_space<vmem>>, vector<1x16xf32>,
    %get3A_28 = arith.constant 0 : i32
    %get3A_29 = arith.index_cast %get3A_28 : i32 to index
    %get3A_30 = arith.constant 16 : index
    %get3A_31 = tpu.vector_load %arg4[%get3A_29, %get3A_30] {strides = array<i32>} : memref<4x128xf32, #tpu.memory_space<vmem>>, vector<1x16xf32>,
    %get3A_32 = vector.shape_cast %get3A_31 : vector<1x16xf32> to vector<16xf32>
    %get3A_33 = arith.constant 0 : i32
    %get3A_34 = arith.index_cast %get3A_33 : i32 to index
    %get3A_35 = arith.constant 16 : index
    %get3A_36 = tpu.vector_load %arg5[%get3A_34, %get3A_35] {strides = array<i32>} : memref<4x128xf32, #tpu.memory_space<vmem>>, vector<1x16xf32>,
    %get3A_37 = vector.shape_cast %get3A_36 : vector<1x16xf32> to vector<16xf32>
    %gt3A_38 = arith.constant 0.000000e+00 : f32
    %gt3A_39 = vector.broadcast %gt3A_38 : f32 to vector<16xf32>
    %gt3A_40 = arith.cmpf ogt, %get3A_37, %gt3A_39 : vector<16xf32>
    %max3A_41 = arith.constant 1.000000e+00 : f32
    %max3A_42 = vector.broadcast %max3A_41 : f32 to vector<16xf32>
    %max3A_43 = arith.maximumf %get3A_37, %max3A_42 : vector<16xf32>
    %div3A_44 = arith.divf %get3A_32, %max3A_43 : vector<16xf32>
    %get3A_45 = arith.constant 0 : i32
    %get3A_46 = arith.index_cast %get3A_45 : i32 to index
    %get3A_47 = arith.constant 16 : index
    %get3A_48 = tpu.vector_load %arg6[%get3A_46, %get3A_47] {strides = array<i32>} : memref<4x128xf32, #tpu.memory_space<vmem>>, vector<1x16xf32>,
    %get3A_49 = vector.shape_cast %get3A_48 : vector<1x16xf32> to vector<16xf32>
    %select_n3A_50 = arith.select %gt3A_40, %div3A_44, %get3A_49 : vector<16xi1>, vector<16xf32>
    %swap3A_51 = arith.constant 0 : i32
    %swap3A_52 = arith.index_cast %swap3A_51 : i32 to index
    %swap3A_53 = arith.constant 16 : index
    %swap3A_54 = tpu.vector_load %arg7[%swap3A_52, %swap3A_53] {strides = array<i32>} : memref<4x128xf32, #tpu.memory_space<vmem>>, vector<1x16xf32>,
    %swap3A_55 = vector.shape_cast %swap3A_54 : vector<1x16xf32> to vector<16xf32>
    %swap3A_56 = vector.shape_cast %select_n3A_50 : vector<16xf32> to vector<1x16xf32>
    tpu.vector_store %arg7[%swap3A_52, %swap3A_53], %swap3A_56 {strides = array<i32>} : memref<4x128xf32, #tpu.memory_space<vmem>>, vector<1x16xf32>,
    %get3A_57 = arith.constant 0 : i32
    %get3A_58 = arith.index_cast %get3A_57 : i32 to index
    %get3A_59 = arith.constant 32 : index
    %get3A_60 = tpu.vector_load %arg4[%get3A_58, %get3A_59] {strides = array<i32>} : memref<4x128xf32, #tpu.memory_space<vmem>>, vector<1x16xf32>,
    %get3A_61 = vector.shape_cast %get3A_60 : vector<1x16xf32> to vector<16xf32>
    %get3A_62 = arith.constant 0 : i32
    %get3A_63 = arith.index_cast %get3A_62 : i32 to index
    %get3A_64 = arith.constant 32 : index
    %get3A_65 = tpu.vector_load %arg5[%get3A_63, %get3A_64] {strides = array<i32>} : memref<4x128xf32, #tpu.memory_space<vmem>>, vector<1x16xf32>,
    %get3A_66 = vector.shape_cast %get3A_65 : vector<1x16xf32> to vector<16xf32>
    %gt3A_67 = arith.constant 0.000000e+00 : f32
    %gt3A_68 = vector.broadcast %gt3A_67 : f32 to vector<16xf32>
    %gt3A_69 = arith.cmpf ogt, %get3A_66, %gt3A_68 : vector<16xf32>
    %max3A_70 = arith.constant 1.000000e+00 : f32
    %max3A_71 = vector.broadcast %max3A_70 : f32 to vector<16xf32>
    %max3A_72 = arith.maximumf %get3A_66, %max3A_71 : vector<16xf32>
    %div3A_73 = arith.divf %get3A_61, %max3A_72 : vector<16xf32>
    %get3A_74 = arith.constant 0 : i32
    %get3A_75 = arith.index_cast %get3A_74 : i32 to index
    %get3A_76 = arith.constant 32 : index
    %get3A_77 = tpu.vector_load %arg6[%get3A_75, %get3A_76] {strides = array<i32>} : memref<4x128xf32, #tpu.memory_space<vmem>>, vector<1x16xf32>,
    %get3A_78 = vector.shape_cast %get3A_77 : vector<1x16xf32> to vector<16xf32>
    %select_n3A_79 = arith.select %gt3A_69, %div3A_73, %get3A_78 : vector<16xi1>, vector<16xf32>
    %swap3A_80 = arith.constant 0 : i32
    %swap3A_81 = arith.index_cast %swap3A_80 : i32 to index
    %swap3A_82 = arith.constant 32 : index
    %swap3A_83 = tpu.vector_load %arg7[%swap3A_81, %swap3A_82] {strides = array<i32>} : memref<4x128xf32, #tpu.memory_space<vmem>>, vector<1x16xf32>,
    %swap3A_84 = vector.shape_cast %swap3A_83 : vector<1x16xf32> to vector<16xf32>
    %swap3A_85 = vector.shape_cast %select_n3A_79 : vector<16xf32> to vector<1x16xf32>
    tpu.vector_store %arg7[%swap3A_81, %swap3A_82], %swap3A_85 {strides = array<i32>} : memref<4x128xf32, #tpu.memory_space<vmem>>, vector<1x16xf32>,
    %get3A_86 = arith.constant 0 : i32
    %get3A_87 = arith.index_cast %get3A_86 : i32 to index
    %get3A_88 = arith.constant 48 : index
    %get3A_89 = tpu.vector_load %arg4[%get3A_87, %get3A_88] {strides = array<i32>} : memref<4x128xf32, #tpu.memory_space<vmem>>, vector<1x16xf32>,
    %get3A_90 = vector.shape_cast %get3A_89 : vector<1x16xf32> to vector<16xf32>
    %get3A_91 = arith.constant 0 : i32
    %get3A_92 = arith.index_cast %get3A_91 : i32 to index
    %get3A_93 = arith.constant 48 : index
    %get3A_94 = tpu.vector_load %arg5[%get3A_92, %get3A_93] {strides = array<i32>} : memref<4x128xf32, #tpu.memory_space<vmem>>, vector<1x16xf32>,
    %get3A_95 = vector.shape_cast %get3A_94 : vector<1x16xf32> to vector<16xf32>
    %gt3A_96 = arith.constant 0.000000e+00 : f32
    %gt3A_97 = vector.broadcast %gt3A_96 : f32 to vector<16xf32>
    %gt3A_98 = arith.cmpf ogt, %get3A_95, %gt3A_97 : vector<16xf32>
    %max3A_99 = arith.constant 1.000000e+00 : f32
    %max3A_100 = vector.broadcast %max3A_99 : f32 to vector<16xf32>
    %max3A_101 = arith.maximumf %get3A_95, %max3A_100 : vector<16xf32>
    %div3A_102 = arith.divf %get3A_90, %max3A_101 : vector<16xf32>
    %get3A_103 = arith.constant 0 : i32
    %get3A_104 = arith.index_cast %get3A_103 : i32 to index
    %get3A_105 = arith.constant 48 : index
    %get3A_106 = tpu.vector_load %arg6[%get3A_104, %get3A_105] {strides = array<i32>} : memref<4x128xf32, #tpu.memory_space<vmem>>, vector<1x16xf32>,
    %get3A_107 = vector.shape_cast %get3A_106 : vector<1x16xf32> to vector<16xf32>
    %select_n3A_108 = arith.select %gt3A_98, %div3A_102, %get3A_107 : vector<16xi1>, vector<16xf32>
    %swap3A_109 = arith.constant 0 : i32
    %swap3A_110 = arith.index_cast %swap3A_109 : i32 to index
    %swap3A_111 = arith.constant 48 : index
    %swap3A_112 = tpu.vector_load %arg7[%swap3A_110, %swap3A_111] {strides = array<i32>} : memref<4x128xf32, #tpu.memory_space<vmem>>, vector<1x16xf32>,
    %swap3A_113 = vector.shape_cast %swap3A_112 : vector<1x16xf32> to vector<16xf32>
    %swap3A_114 = vector.shape_cast %select_n3A_108 : vector<16xf32> to vector<1x16xf32>
    tpu.vector_store %arg7[%swap3A_110, %swap3A_111], %swap3A_114 {strides = array<i32>} : memref<4x128xf32, #tpu.memory_space<vmem>>, vector<1x16xf32>,
    %get3A_115 = arith.constant 0 : i32
    %get3A_116 = arith.index_cast %get3A_115 : i32 to index
    %get3A_117 = arith.constant 64 : index
    %get3A_118 = tpu.vector_load %arg4[%get3A_116, %get3A_117] {strides = array<i32>} : memref<4x128xf32, #tpu.memory_space<vmem>>, vector<1x16xf32>,
    %get3A_119 = vector.shape_cast %get3A_118 : vector<1x16xf32> to vector<16xf32>
    %get3A_120 = arith.constant 0 : i32
    %get3A_121 = arith.index_cast %get3A_120 : i32 to index
    %get3A_122 = arith.constant 64 : index
    %get3A_123 = tpu.vector_load %arg5[%get3A_121, %get3A_122] {strides = array<i32>} : memref<4x128xf32, #tpu.memory_space<vmem>>, vector<1x16xf32>,
    %get3A_124 = vector.shape_cast %get3A_123 : vector<1x16xf32> to vector<16xf32>
    %gt3A_125 = arith.constant 0.000000e+00 : f32
    %gt3A_126 = vector.broadcast %gt3A_125 : f32 to vector<16xf32>
    %gt3A_127 = arith.cmpf ogt, %get3A_124, %gt3A_126 : vector<16xf32>
    %max3A_128 = arith.constant 1.000000e+00 : f32
    %max3A_129 = vector.broadcast %max3A_128 : f32 to vector<16xf32>
    %max3A_130 = arith.maximumf %get3A_124, %max3A_129 : vector<16xf32>
    %div3A_131 = arith.divf %get3A_119, %max3A_130 : vector<16xf32>
    %get3A_132 = arith.constant 0 : i32
    %get3A_133 = arith.index_cast %get3A_132 : i32 to index
    %get3A_134 = arith.constant 64 : index
    %get3A_135 = tpu.vector_load %arg6[%get3A_133, %get3A_134] {strides = array<i32>} : memref<4x128xf32, #tpu.memory_space<vmem>>, vector<1x16xf32>,
    %get3A_136 = vector.shape_cast %get3A_135 : vector<1x16xf32> to vector<16xf32>
    %select_n3A_137 = arith.select %gt3A_127, %div3A_131, %get3A_136 : vector<16xi1>, vector<16xf32>
    %swap3A_138 = arith.constant 0 : i32
    %swap3A_139 = arith.index_cast %swap3A_138 : i32 to index
    %swap3A_140 = arith.constant 64 : index
    %swap3A_141 = tpu.vector_load %arg7[%swap3A_139, %swap3A_140] {strides = array<i32>} : memref<4x128xf32, #tpu.memory_space<vmem>>, vector<1x16xf32>,
    %swap3A_142 = vector.shape_cast %swap3A_141 : vector<1x16xf32> to vector<16xf32>
    %swap3A_143 = vector.shape_cast %select_n3A_137 : vector<16xf32> to vector<1x16xf32>
    tpu.vector_store %arg7[%swap3A_139, %swap3A_140], %swap3A_143 {strides = array<i32>} : memref<4x128xf32, #tpu.memory_space<vmem>>, vector<1x16xf32>,
    %get3A_144 = arith.constant 0 : i32
    %get3A_145 = arith.index_cast %get3A_144 : i32 to index
    %get3A_146 = arith.constant 80 : index
    %get3A_147 = tpu.vector_load %arg4[%get3A_145, %get3A_146] {strides = array<i32>} : memref<4x128xf32, #tpu.memory_space<vmem>>, vector<1x16xf32>,
    %get3A_148 = vector.shape_cast %get3A_147 : vector<1x16xf32> to vector<16xf32>
    %get3A_149 = arith.constant 0 : i32
    %get3A_150 = arith.index_cast %get3A_149 : i32 to index
    %get3A_151 = arith.constant 80 : index
    %get3A_152 = tpu.vector_load %arg5[%get3A_150, %get3A_151] {strides = array<i32>} : memref<4x128xf32, #tpu.memory_space<vmem>>, vector<1x16xf32>,
    %get3A_153 = vector.shape_cast %get3A_152 : vector<1x16xf32> to vector<16xf32>
    %gt3A_154 = arith.constant 0.000000e+00 : f32
    %gt3A_155 = vector.broadcast %gt3A_154 : f32 to vector<16xf32>
    %gt3A_156 = arith.cmpf ogt, %get3A_153, %gt3A_155 : vector<16xf32>
    %max3A_157 = arith.constant 1.000000e+00 : f32
    %max3A_158 = vector.broadcast %max3A_157 : f32 to vector<16xf32>
    %max3A_159 = arith.maximumf %get3A_153, %max3A_158 : vector<16xf32>
    %div3A_160 = arith.divf %get3A_148, %max3A_159 : vector<16xf32>
    %get3A_161 = arith.constant 0 : i32
    %get3A_162 = arith.index_cast %get3A_161 : i32 to index
    %get3A_163 = arith.constant 80 : index
    %get3A_164 = tpu.vector_load %arg6[%get3A_162, %get3A_163] {strides = array<i32>} : memref<4x128xf32, #tpu.memory_space<vmem>>, vector<1x16xf32>,
    %get3A_165 = vector.shape_cast %get3A_164 : vector<1x16xf32> to vector<16xf32>
    %select_n3A_166 = arith.select %gt3A_156, %div3A_160, %get3A_165 : vector<16xi1>, vector<16xf32>
    %swap3A_167 = arith.constant 0 : i32
    %swap3A_168 = arith.index_cast %swap3A_167 : i32 to index
    %swap3A_169 = arith.constant 80 : index
    %swap3A_170 = tpu.vector_load %arg7[%swap3A_168, %swap3A_169] {strides = array<i32>} : memref<4x128xf32, #tpu.memory_space<vmem>>, vector<1x16xf32>,
    %swap3A_171 = vector.shape_cast %swap3A_170 : vector<1x16xf32> to vector<16xf32>
    %swap3A_172 = vector.shape_cast %select_n3A_166 : vector<16xf32> to vector<1x16xf32>
    tpu.vector_store %arg7[%swap3A_168, %swap3A_169], %swap3A_172 {strides = array<i32>} : memref<4x128xf32, #tpu.memory_space<vmem>>, vector<1x16xf32>,
    %get3A_173 = arith.constant 0 : i32
    %get3A_174 = arith.index_cast %get3A_173 : i32 to index
    %get3A_175 = arith.constant 96 : index
    %get3A_176 = tpu.vector_load %arg4[%get3A_174, %get3A_175] {strides = array<i32>} : memref<4x128xf32, #tpu.memory_space<vmem>>, vector<1x16xf32>,
    %get3A_177 = vector.shape_cast %get3A_176 : vector<1x16xf32> to vector<16xf32>
    %get3A_178 = arith.constant 0 : i32
    %get3A_179 = arith.index_cast %get3A_178 : i32 to index
    %get3A_180 = arith.constant 96 : index
    %get3A_181 = tpu.vector_load %arg5[%get3A_179, %get3A_180] {strides = array<i32>} : memref<4x128xf32, #tpu.memory_space<vmem>>, vector<1x16xf32>,
    %get3A_182 = vector.shape_cast %get3A_181 : vector<1x16xf32> to vector<16xf32>
    %gt3A_183 = arith.constant 0.000000e+00 : f32
    %gt3A_184 = vector.broadcast %gt3A_183 : f32 to vector<16xf32>
    %gt3A_185 = arith.cmpf ogt, %get3A_182, %gt3A_184 : vector<16xf32>
    %max3A_186 = arith.constant 1.000000e+00 : f32
    %max3A_187 = vector.broadcast %max3A_186 : f32 to vector<16xf32>
    %max3A_188 = arith.maximumf %get3A_182, %max3A_187 : vector<16xf32>
    %div3A_189 = arith.divf %get3A_177, %max3A_188 : vector<16xf32>
    %get3A_190 = arith.constant 0 : i32
    %get3A_191 = arith.index_cast %get3A_190 : i32 to index
    %get3A_192 = arith.constant 96 : index
    %get3A_193 = tpu.vector_load %arg6[%get3A_191, %get3A_192] {strides = array<i32>} : memref<4x128xf32, #tpu.memory_space<vmem>>, vector<1x16xf32>,
    %get3A_194 = vector.shape_cast %get3A_193 : vector<1x16xf32> to vector<16xf32>
    %select_n3A_195 = arith.select %gt3A_185, %div3A_189, %get3A_194 : vector<16xi1>, vector<16xf32>
    %swap3A_196 = arith.constant 0 : i32
    %swap3A_197 = arith.index_cast %swap3A_196 : i32 to index
    %swap3A_198 = arith.constant 96 : index
    %swap3A_199 = tpu.vector_load %arg7[%swap3A_197, %swap3A_198] {strides = array<i32>} : memref<4x128xf32, #tpu.memory_space<vmem>>, vector<1x16xf32>,
    %swap3A_200 = vector.shape_cast %swap3A_199 : vector<1x16xf32> to vector<16xf32>
    %swap3A_201 = vector.shape_cast %select_n3A_195 : vector<16xf32> to vector<1x16xf32>
    tpu.vector_store %arg7[%swap3A_197, %swap3A_198], %swap3A_201 {strides = array<i32>} : memref<4x128xf32, #tpu.memory_space<vmem>>, vector<1x16xf32>,
    %get3A_202 = arith.constant 0 : i32
    %get3A_203 = arith.index_cast %get3A_202 : i32 to index
    %get3A_204 = arith.constant 112 : index
    %get3A_205 = tpu.vector_load %arg4[%get3A_203, %get3A_204] {strides = array<i32>} : memref<4x128xf32, #tpu.memory_space<vmem>>, vector<1x16xf32>,
    %get3A_206 = vector.shape_cast %get3A_205 : vector<1x16xf32> to vector<16xf32>
    %get3A_207 = arith.constant 0 : i32
    %get3A_208 = arith.index_cast %get3A_207 : i32 to index
    %get3A_209 = arith.constant 112 : index
    %get3A_210 = tpu.vector_load %arg5[%get3A_208, %get3A_209] {strides = array<i32>} : memref<4x128xf32, #tpu.memory_space<vmem>>, vector<1x16xf32>,
    %get3A_211 = vector.shape_cast %get3A_210 : vector<1x16xf32> to vector<16xf32>
    %gt3A_212 = arith.constant 0.000000e+00 : f32
    %gt3A_213 = vector.broadcast %gt3A_212 : f32 to vector<16xf32>
    %gt3A_214 = arith.cmpf ogt, %get3A_211, %gt3A_213 : vector<16xf32>
    %max3A_215 = arith.constant 1.000000e+00 : f32
    %max3A_216 = vector.broadcast %max3A_215 : f32 to vector<16xf32>
    %max3A_217 = arith.maximumf %get3A_211, %max3A_216 : vector<16xf32>
    %div3A_218 = arith.divf %get3A_206, %max3A_217 : vector<16xf32>
    %get3A_219 = arith.constant 0 : i32
    %get3A_220 = arith.index_cast %get3A_219 : i32 to index
    %get3A_221 = arith.constant 112 : index
    %get3A_222 = tpu.vector_load %arg6[%get3A_220, %get3A_221] {strides = array<i32>} : memref<4x128xf32, #tpu.memory_space<vmem>>, vector<1x16xf32>,
    %get3A_223 = vector.shape_cast %get3A_222 : vector<1x16xf32> to vector<16xf32>
    %select_n3A_224 = arith.select %gt3A_214, %div3A_218, %get3A_223 : vector<16xi1>, vector<16xf32>
    %swap3A_225 = arith.constant 0 : i32
    %swap3A_226 = arith.index_cast %swap3A_225 : i32 to index
    %swap3A_227 = arith.constant 112 : index
    %swap3A_228 = tpu.vector_load %arg7[%swap3A_226, %swap3A_227] {strides = array<i32>} : memref<4x128xf32, #tpu.memory_space<vmem>>, vector<1x16xf32>,
    %swap3A_229 = vector.shape_cast %swap3A_228 : vector<1x16xf32> to vector<16xf32>
    %swap3A_230 = vector.shape_cast %select_n3A_224 : vector<16xf32> to vector<1x16xf32>
    tpu.vector_store %arg7[%swap3A_226, %swap3A_227], %swap3A_230 {strides = array<i32>} : memref<4x128xf32, #tpu.memory_space<vmem>>, vector<1x16xf32>,
    %get3A_231 = arith.constant 1 : i32
    %get3A_232 = arith.index_cast %get3A_231 : i32 to index
    %get3A_233 = arith.constant 0 : index
    %get3A_234 = tpu.vector_load %arg4[%get3A_232, %get3A_233] {strides = array<i32>} : memref<4x128xf32, #tpu.memory_space<vmem>>, vector<1x16xf32>,
    %get3A_235 = vector.shape_cast %get3A_234 : vector<1x16xf32> to vector<16xf32>
    %get3A_236 = arith.constant 1 : i32
    %get3A_237 = arith.index_cast %get3A_236 : i32 to index
    %get3A_238 = arith.constant 0 : index
    %get3A_239 = tpu.vector_load %arg5[%get3A_237, %get3A_238] {strides = array<i32>} : memref<4x128xf32, #tpu.memory_space<vmem>>, vector<1x16xf32>,
    %get3A_240 = vector.shape_cast %get3A_239 : vector<1x16xf32> to vector<16xf32>
    %gt3A_241 = arith.constant 0.000000e+00 : f32
    %gt3A_242 = vector.broadcast %gt3A_241 : f32 to vector<16xf32>
    %gt3A_243 = arith.cmpf ogt, %get3A_240, %gt3A_242 : vector<16xf32>
    %max3A_244 = arith.constant 1.000000e+00 : f32
    %max3A_245 = vector.broadcast %max3A_244 : f32 to vector<16xf32>
    %max3A_246 = arith.maximumf %get3A_240, %max3A_245 : vector<16xf32>
    %div3A_247 = arith.divf %get3A_235, %max3A_246 : vector<16xf32>
    %get3A_248 = arith.constant 1 : i32
    %get3A_249 = arith.index_cast %get3A_248 : i32 to index
    %get3A_250 = arith.constant 0 : index
    %get3A_251 = tpu.vector_load %arg6[%get3A_249, %get3A_250] {strides = array<i32>} : memref<4x128xf32, #tpu.memory_space<vmem>>, vector<1x16xf32>,
    %get3A_252 = vector.shape_cast %get3A_251 : vector<1x16xf32> to vector<16xf32>
    %select_n3A_253 = arith.select %gt3A_243, %div3A_247, %get3A_252 : vector<16xi1>, vector<16xf32>
    %swap3A_254 = arith.constant 1 : i32
    %swap3A_255 = arith.index_cast %swap3A_254 : i32 to index
    %swap3A_256 = arith.constant 0 : index
    %swap3A_257 = tpu.vector_load %arg7[%swap3A_255, %swap3A_256] {strides = array<i32>} : memref<4x128xf32, #tpu.memory_space<vmem>>, vector<1x16xf32>,
    %swap3A_258 = vector.shape_cast %swap3A_257 : vector<1x16xf32> to vector<16xf32>
    %swap3A_259 = vector.shape_cast %select_n3A_253 : vector<16xf32> to vector<1x16xf32>
    tpu.vector_store %arg7[%swap3A_255, %swap3A_256], %swap3A_259 {strides = array<i32>} : memref<4x128xf32, #tpu.memory_space<vmem>>, vector<1x16xf32>,
    %get3A_260 = arith.constant 1 : i32
    %get3A_261 = arith.index_cast %get3A_260 : i32 to index
    %get3A_262 = arith.constant 16 : index
    %get3A_263 = tpu.vector_load %arg4[%get3A_261, %get3A_262] {strides = array<i32>} : memref<4x128xf32, #tpu.memory_space<vmem>>, vector<1x16xf32>,
    %get3A_264 = vector.shape_cast %get3A_263 : vector<1x16xf32> to vector<16xf32>
    %get3A_265 = arith.constant 1 : i32
    %get3A_266 = arith.index_cast %get3A_265 : i32 to index
    %get3A_267 = arith.constant 16 : index
    %get3A_268 = tpu.vector_load %arg5[%get3A_266, %get3A_267] {strides = array<i32>} : memref<4x128xf32, #tpu.memory_space<vmem>>, vector<1x16xf32>,
    %get3A_269 = vector.shape_cast %get3A_268 : vector<1x16xf32> to vector<16xf32>
    %gt3A_270 = arith.constant 0.000000e+00 : f32
    %gt3A_271 = vector.broadcast %gt3A_270 : f32 to vector<16xf32>
    %gt3A_272 = arith.cmpf ogt, %get3A_269, %gt3A_271 : vector<16xf32>
    %max3A_273 = arith.constant 1.000000e+00 : f32
    %max3A_274 = vector.broadcast %max3A_273 : f32 to vector<16xf32>
    %max3A_275 = arith.maximumf %get3A_269, %max3A_274 : vector<16xf32>
    %div3A_276 = arith.divf %get3A_264, %max3A_275 : vector<16xf32>
    %get3A_277 = arith.constant 1 : i32
    %get3A_278 = arith.index_cast %get3A_277 : i32 to index
    %get3A_279 = arith.constant 16 : index
    %get3A_280 = tpu.vector_load %arg6[%get3A_278, %get3A_279] {strides = array<i32>} : memref<4x128xf32, #tpu.memory_space<vmem>>, vector<1x16xf32>,
    %get3A_281 = vector.shape_cast %get3A_280 : vector<1x16xf32> to vector<16xf32>
    %select_n3A_282 = arith.select %gt3A_272, %div3A_276, %get3A_281 : vector<16xi1>, vector<16xf32>
    %swap3A_283 = arith.constant 1 : i32
    %swap3A_284 = arith.index_cast %swap3A_283 : i32 to index
    %swap3A_285 = arith.constant 16 : index
    %swap3A_286 = tpu.vector_load %arg7[%swap3A_284, %swap3A_285] {strides = array<i32>} : memref<4x128xf32, #tpu.memory_space<vmem>>, vector<1x16xf32>,
    %swap3A_287 = vector.shape_cast %swap3A_286 : vector<1x16xf32> to vector<16xf32>
    %swap3A_288 = vector.shape_cast %select_n3A_282 : vector<16xf32> to vector<1x16xf32>
    tpu.vector_store %arg7[%swap3A_284, %swap3A_285], %swap3A_288 {strides = array<i32>} : memref<4x128xf32, #tpu.memory_space<vmem>>, vector<1x16xf32>,
    %get3A_289 = arith.constant 1 : i32
    %get3A_290 = arith.index_cast %get3A_289 : i32 to index
    %get3A_291 = arith.constant 32 : index
    %get3A_292 = tpu.vector_load %arg4[%get3A_290, %get3A_291] {strides = array<i32>} : memref<4x128xf32, #tpu.memory_space<vmem>>, vector<1x16xf32>,
    %get3A_293 = vector.shape_cast %get3A_292 : vector<1x16xf32> to vector<16xf32>
    %get3A_294 = arith.constant 1 : i32
    %get3A_295 = arith.index_cast %get3A_294 : i32 to index
    %get3A_296 = arith.constant 32 : index
    %get3A_297 = tpu.vector_load %arg5[%get3A_295, %get3A_296] {strides = array<i32>} : memref<4x128xf32, #tpu.memory_space<vmem>>, vector<1x16xf32>,
    %get3A_298 = vector.shape_cast %get3A_297 : vector<1x16xf32> to vector<16xf32>
    %gt3A_299 = arith.constant 0.000000e+00 : f32
    %gt3A_300 = vector.broadcast %gt3A_299 : f32 to vector<16xf32>
    %gt3A_301 = arith.cmpf ogt, %get3A_298, %gt3A_300 : vector<16xf32>
    %max3A_302 = arith.constant 1.000000e+00 : f32
    %max3A_303 = vector.broadcast %max3A_302 : f32 to vector<16xf32>
    %max3A_304 = arith.maximumf %get3A_298, %max3A_303 : vector<16xf32>
    %div3A_305 = arith.divf %get3A_293, %max3A_304 : vector<16xf32>
    %get3A_306 = arith.constant 1 : i32
    %get3A_307 = arith.index_cast %get3A_306 : i32 to index
    %get3A_308 = arith.constant 32 : index
    %get3A_309 = tpu.vector_load %arg6[%get3A_307, %get3A_308] {strides = array<i32>} : memref<4x128xf32, #tpu.memory_space<vmem>>, vector<1x16xf32>,
    %get3A_310 = vector.shape_cast %get3A_309 : vector<1x16xf32> to vector<16xf32>
    %select_n3A_311 = arith.select %gt3A_301, %div3A_305, %get3A_310 : vector<16xi1>, vector<16xf32>
    %swap3A_312 = arith.constant 1 : i32
    %swap3A_313 = arith.index_cast %swap3A_312 : i32 to index
    %swap3A_314 = arith.constant 32 : index
    %swap3A_315 = tpu.vector_load %arg7[%swap3A_313, %swap3A_314] {strides = array<i32>} : memref<4x128xf32, #tpu.memory_space<vmem>>, vector<1x16xf32>,
    %swap3A_316 = vector.shape_cast %swap3A_315 : vector<1x16xf32> to vector<16xf32>
    %swap3A_317 = vector.shape_cast %select_n3A_311 : vector<16xf32> to vector<1x16xf32>
    tpu.vector_store %arg7[%swap3A_313, %swap3A_314], %swap3A_317 {strides = array<i32>} : memref<4x128xf32, #tpu.memory_space<vmem>>, vector<1x16xf32>,
    %get3A_318 = arith.constant 1 : i32
    %get3A_319 = arith.index_cast %get3A_318 : i32 to index
    %get3A_320 = arith.constant 48 : index
    %get3A_321 = tpu.vector_load %arg4[%get3A_319, %get3A_320] {strides = array<i32>} : memref<4x128xf32, #tpu.memory_space<vmem>>, vector<1x16xf32>,
    %get3A_322 = vector.shape_cast %get3A_321 : vector<1x16xf32> to vector<16xf32>
    %get3A_323 = arith.constant 1 : i32
    %get3A_324 = arith.index_cast %get3A_323 : i32 to index
    %get3A_325 = arith.constant 48 : index
    %get3A_326 = tpu.vector_load %arg5[%get3A_324, %get3A_325] {strides = array<i32>} : memref<4x128xf32, #tpu.memory_space<vmem>>, vector<1x16xf32>,
    %get3A_327 = vector.shape_cast %get3A_326 : vector<1x16xf32> to vector<16xf32>
    %gt3A_328 = arith.constant 0.000000e+00 : f32
    %gt3A_329 = vector.broadcast %gt3A_328 : f32 to vector<16xf32>
    %gt3A_330 = arith.cmpf ogt, %get3A_327, %gt3A_329 : vector<16xf32>
    %max3A_331 = arith.constant 1.000000e+00 : f32
    %max3A_332 = vector.broadcast %max3A_331 : f32 to vector<16xf32>
    %max3A_333 = arith.maximumf %get3A_327, %max3A_332 : vector<16xf32>
    %div3A_334 = arith.divf %get3A_322, %max3A_333 : vector<16xf32>
    %get3A_335 = arith.constant 1 : i32
    %get3A_336 = arith.index_cast %get3A_335 : i32 to index
    %get3A_337 = arith.constant 48 : index
    %get3A_338 = tpu.vector_load %arg6[%get3A_336, %get3A_337] {strides = array<i32>} : memref<4x128xf32, #tpu.memory_space<vmem>>, vector<1x16xf32>,
    %get3A_339 = vector.shape_cast %get3A_338 : vector<1x16xf32> to vector<16xf32>
    %select_n3A_340 = arith.select %gt3A_330, %div3A_334, %get3A_339 : vector<16xi1>, vector<16xf32>
    %swap3A_341 = arith.constant 1 : i32
    %swap3A_342 = arith.index_cast %swap3A_341 : i32 to index
    %swap3A_343 = arith.constant 48 : index
    %swap3A_344 = tpu.vector_load %arg7[%swap3A_342, %swap3A_343] {strides = array<i32>} : memref<4x128xf32, #tpu.memory_space<vmem>>, vector<1x16xf32>,
    %swap3A_345 = vector.shape_cast %swap3A_344 : vector<1x16xf32> to vector<16xf32>
    %swap3A_346 = vector.shape_cast %select_n3A_340 : vector<16xf32> to vector<1x16xf32>
    tpu.vector_store %arg7[%swap3A_342, %swap3A_343], %swap3A_346 {strides = array<i32>} : memref<4x128xf32, #tpu.memory_space<vmem>>, vector<1x16xf32>,
    %get3A_347 = arith.constant 1 : i32
    %get3A_348 = arith.index_cast %get3A_347 : i32 to index
    %get3A_349 = arith.constant 64 : index
    %get3A_350 = tpu.vector_load %arg4[%get3A_348, %get3A_349] {strides = array<i32>} : memref<4x128xf32, #tpu.memory_space<vmem>>, vector<1x16xf32>,
    %get3A_351 = vector.shape_cast %get3A_350 : vector<1x16xf32> to vector<16xf32>
    %get3A_352 = arith.constant 1 : i32
    %get3A_353 = arith.index_cast %get3A_352 : i32 to index
    %get3A_354 = arith.constant 64 : index
    %get3A_355 = tpu.vector_load %arg5[%get3A_353, %get3A_354] {strides = array<i32>} : memref<4x128xf32, #tpu.memory_space<vmem>>, vector<1x16xf32>,
    %get3A_356 = vector.shape_cast %get3A_355 : vector<1x16xf32> to vector<16xf32>
    %gt3A_357 = arith.constant 0.000000e+00 : f32
    %gt3A_358 = vector.broadcast %gt3A_357 : f32 to vector<16xf32>
    %gt3A_359 = arith.cmpf ogt, %get3A_356, %gt3A_358 : vector<16xf32>
    %max3A_360 = arith.constant 1.000000e+00 : f32
    %max3A_361 = vector.broadcast %max3A_360 : f32 to vector<16xf32>
    %max3A_362 = arith.maximumf %get3A_356, %max3A_361 : vector<16xf32>
    %div3A_363 = arith.divf %get3A_351, %max3A_362 : vector<16xf32>
    %get3A_364 = arith.constant 1 : i32
    %get3A_365 = arith.index_cast %get3A_364 : i32 to index
    %get3A_366 = arith.constant 64 : index
    %get3A_367 = tpu.vector_load %arg6[%get3A_365, %get3A_366] {strides = array<i32>} : memref<4x128xf32, #tpu.memory_space<vmem>>, vector<1x16xf32>,
    %get3A_368 = vector.shape_cast %get3A_367 : vector<1x16xf32> to vector<16xf32>
    %select_n3A_369 = arith.select %gt3A_359, %div3A_363, %get3A_368 : vector<16xi1>, vector<16xf32>
    %swap3A_370 = arith.constant 1 : i32
    %swap3A_371 = arith.index_cast %swap3A_370 : i32 to index
    %swap3A_372 = arith.constant 64 : index
    %swap3A_373 = tpu.vector_load %arg7[%swap3A_371, %swap3A_372] {strides = array<i32>} : memref<4x128xf32, #tpu.memory_space<vmem>>, vector<1x16xf32>,
    %swap3A_374 = vector.shape_cast %swap3A_373 : vector<1x16xf32> to vector<16xf32>
    %swap3A_375 = vector.shape_cast %select_n3A_369 : vector<16xf32> to vector<1x16xf32>
    tpu.vector_store %arg7[%swap3A_371, %swap3A_372], %swap3A_375 {strides = array<i32>} : memref<4x128xf32, #tpu.memory_space<vmem>>, vector<1x16xf32>,
    %get3A_376 = arith.constant 1 : i32
    %get3A_377 = arith.index_cast %get3A_376 : i32 to index
    %get3A_378 = arith.constant 80 : index
    %get3A_379 = tpu.vector_load %arg4[%get3A_377, %get3A_378] {strides = array<i32>} : memref<4x128xf32, #tpu.memory_space<vmem>>, vector<1x16xf32>,
    %get3A_380 = vector.shape_cast %get3A_379 : vector<1x16xf32> to vector<16xf32>
    %get3A_381 = arith.constant 1 : i32
    %get3A_382 = arith.index_cast %get3A_381 : i32 to index
    %get3A_383 = arith.constant 80 : index
    %get3A_384 = tpu.vector_load %arg5[%get3A_382, %get3A_383] {strides = array<i32>} : memref<4x128xf32, #tpu.memory_space<vmem>>, vector<1x16xf32>,
    %get3A_385 = vector.shape_cast %get3A_384 : vector<1x16xf32> to vector<16xf32>
    %gt3A_386 = arith.constant 0.000000e+00 : f32
    %gt3A_387 = vector.broadcast %gt3A_386 : f32 to vector<16xf32>
    %gt3A_388 = arith.cmpf ogt, %get3A_385, %gt3A_387 : vector<16xf32>
    %max3A_389 = arith.constant 1.000000e+00 : f32
    %max3A_390 = vector.broadcast %max3A_389 : f32 to vector<16xf32>
    %max3A_391 = arith.maximumf %get3A_385, %max3A_390 : vector<16xf32>
    %div3A_392 = arith.divf %get3A_380, %max3A_391 : vector<16xf32>
    %get3A_393 = arith.constant 1 : i32
    %get3A_394 = arith.index_cast %get3A_393 : i32 to index
    %get3A_395 = arith.constant 80 : index
    %get3A_396 = tpu.vector_load %arg6[%get3A_394, %get3A_395] {strides = array<i32>} : memref<4x128xf32, #tpu.memory_space<vmem>>, vector<1x16xf32>,
    %get3A_397 = vector.shape_cast %get3A_396 : vector<1x16xf32> to vector<16xf32>
    %select_n3A_398 = arith.select %gt3A_388, %div3A_392, %get3A_397 : vector<16xi1>, vector<16xf32>
    %swap3A_399 = arith.constant 1 : i32
    %swap3A_400 = arith.index_cast %swap3A_399 : i32 to index
    %swap3A_401 = arith.constant 80 : index
    %swap3A_402 = tpu.vector_load %arg7[%swap3A_400, %swap3A_401] {strides = array<i32>} : memref<4x128xf32, #tpu.memory_space<vmem>>, vector<1x16xf32>,
    %swap3A_403 = vector.shape_cast %swap3A_402 : vector<1x16xf32> to vector<16xf32>
    %swap3A_404 = vector.shape_cast %select_n3A_398 : vector<16xf32> to vector<1x16xf32>
    tpu.vector_store %arg7[%swap3A_400, %swap3A_401], %swap3A_404 {strides = array<i32>} : memref<4x128xf32, #tpu.memory_space<vmem>>, vector<1x16xf32>,
    %get3A_405 = arith.constant 1 : i32
    %get3A_406 = arith.index_cast %get3A_405 : i32 to index
    %get3A_407 = arith.constant 96 : index
    %get3A_408 = tpu.vector_load %arg4[%get3A_406, %get3A_407] {strides = array<i32>} : memref<4x128xf32, #tpu.memory_space<vmem>>, vector<1x16xf32>,
    %get3A_409 = vector.shape_cast %get3A_408 : vector<1x16xf32> to vector<16xf32>
    %get3A_410 = arith.constant 1 : i32
    %get3A_411 = arith.index_cast %get3A_410 : i32 to index
    %get3A_412 = arith.constant 96 : index
    %get3A_413 = tpu.vector_load %arg5[%get3A_411, %get3A_412] {strides = array<i32>} : memref<4x128xf32, #tpu.memory_space<vmem>>, vector<1x16xf32>,
    %get3A_414 = vector.shape_cast %get3A_413 : vector<1x16xf32> to vector<16xf32>
    %gt3A_415 = arith.constant 0.000000e+00 : f32
    %gt3A_416 = vector.broadcast %gt3A_415 : f32 to vector<16xf32>
    %gt3A_417 = arith.cmpf ogt, %get3A_414, %gt3A_416 : vector<16xf32>
    %max3A_418 = arith.constant 1.000000e+00 : f32
    %max3A_419 = vector.broadcast %max3A_418 : f32 to vector<16xf32>
    %max3A_420 = arith.maximumf %get3A_414, %max3A_419 : vector<16xf32>
    %div3A_421 = arith.divf %get3A_409, %max3A_420 : vector<16xf32>
    %get3A_422 = arith.constant 1 : i32
    %get3A_423 = arith.index_cast %get3A_422 : i32 to index
    %get3A_424 = arith.constant 96 : index
    %get3A_425 = tpu.vector_load %arg6[%get3A_423, %get3A_424] {strides = array<i32>} : memref<4x128xf32, #tpu.memory_space<vmem>>, vector<1x16xf32>,
    %get3A_426 = vector.shape_cast %get3A_425 : vector<1x16xf32> to vector<16xf32>
    %select_n3A_427 = arith.select %gt3A_417, %div3A_421, %get3A_426 : vector<16xi1>, vector<16xf32>
    %swap3A_428 = arith.constant 1 : i32
    %swap3A_429 = arith.index_cast %swap3A_428 : i32 to index
    %swap3A_430 = arith.constant 96 : index
    %swap3A_431 = tpu.vector_load %arg7[%swap3A_429, %swap3A_430] {strides = array<i32>} : memref<4x128xf32, #tpu.memory_space<vmem>>, vector<1x16xf32>,
    %swap3A_432 = vector.shape_cast %swap3A_431 : vector<1x16xf32> to vector<16xf32>
    %swap3A_433 = vector.shape_cast %select_n3A_427 : vector<16xf32> to vector<1x16xf32>
    tpu.vector_store %arg7[%swap3A_429, %swap3A_430], %swap3A_433 {strides = array<i32>} : memref<4x128xf32, #tpu.memory_space<vmem>>, vector<1x16xf32>,
    %get3A_434 = arith.constant 1 : i32
    %get3A_435 = arith.index_cast %get3A_434 : i32 to index
    %get3A_436 = arith.constant 112 : index
    %get3A_437 = tpu.vector_load %arg4[%get3A_435, %get3A_436] {strides = array<i32>} : memref<4x128xf32, #tpu.memory_space<vmem>>, vector<1x16xf32>,
    %get3A_438 = vector.shape_cast %get3A_437 : vector<1x16xf32> to vector<16xf32>
    %get3A_439 = arith.constant 1 : i32
    %get3A_440 = arith.index_cast %get3A_439 : i32 to index
    %get3A_441 = arith.constant 112 : index
    %get3A_442 = tpu.vector_load %arg5[%get3A_440, %get3A_441] {strides = array<i32>} : memref<4x128xf32, #tpu.memory_space<vmem>>, vector<1x16xf32>,
    %get3A_443 = vector.shape_cast %get3A_442 : vector<1x16xf32> to vector<16xf32>
    %gt3A_444 = arith.constant 0.000000e+00 : f32
    %gt3A_445 = vector.broadcast %gt3A_444 : f32 to vector<16xf32>
    %gt3A_446 = arith.cmpf ogt, %get3A_443, %gt3A_445 : vector<16xf32>
    %max3A_447 = arith.constant 1.000000e+00 : f32
    %max3A_448 = vector.broadcast %max3A_447 : f32 to vector<16xf32>
    %max3A_449 = arith.maximumf %get3A_443, %max3A_448 : vector<16xf32>
    %div3A_450 = arith.divf %get3A_438, %max3A_449 : vector<16xf32>
    %get3A_451 = arith.constant 1 : i32
    %get3A_452 = arith.index_cast %get3A_451 : i32 to index
    %get3A_453 = arith.constant 112 : index
    %get3A_454 = tpu.vector_load %arg6[%get3A_452, %get3A_453] {strides = array<i32>} : memref<4x128xf32, #tpu.memory_space<vmem>>, vector<1x16xf32>,
    %get3A_455 = vector.shape_cast %get3A_454 : vector<1x16xf32> to vector<16xf32>
    %select_n3A_456 = arith.select %gt3A_446, %div3A_450, %get3A_455 : vector<16xi1>, vector<16xf32>
    %swap3A_457 = arith.constant 1 : i32
    %swap3A_458 = arith.index_cast %swap3A_457 : i32 to index
    %swap3A_459 = arith.constant 112 : index
    %swap3A_460 = tpu.vector_load %arg7[%swap3A_458, %swap3A_459] {strides = array<i32>} : memref<4x128xf32, #tpu.memory_space<vmem>>, vector<1x16xf32>,
    %swap3A_461 = vector.shape_cast %swap3A_460 : vector<1x16xf32> to vector<16xf32>
    %swap3A_462 = vector.shape_cast %select_n3A_456 : vector<16xf32> to vector<1x16xf32>
    tpu.vector_store %arg7[%swap3A_458, %swap3A_459], %swap3A_462 {strides = array<i32>} : memref<4x128xf32, #tpu.memory_space<vmem>>, vector<1x16xf32>,
    %get3A_463 = arith.constant 2 : i32
    %get3A_464 = arith.index_cast %get3A_463 : i32 to index
    %get3A_465 = arith.constant 0 : index
    %get3A_466 = tpu.vector_load %arg4[%get3A_464, %get3A_465] {strides = array<i32>} : memref<4x128xf32, #tpu.memory_space<vmem>>, vector<1x16xf32>,
    %get3A_467 = vector.shape_cast %get3A_466 : vector<1x16xf32> to vector<16xf32>
    %get3A_468 = arith.constant 2 : i32
    %get3A_469 = arith.index_cast %get3A_468 : i32 to index
    %get3A_470 = arith.constant 0 : index
    %get3A_471 = tpu.vector_load %arg5[%get3A_469, %get3A_470] {strides = array<i32>} : memref<4x128xf32, #tpu.memory_space<vmem>>, vector<1x16xf32>,
    %get3A_472 = vector.shape_cast %get3A_471 : vector<1x16xf32> to vector<16xf32>
    %gt3A_473 = arith.constant 0.000000e+00 : f32
    %gt3A_474 = vector.broadcast %gt3A_473 : f32 to vector<16xf32>
    %gt3A_475 = arith.cmpf ogt, %get3A_472, %gt3A_474 : vector<16xf32>
    %max3A_476 = arith.constant 1.000000e+00 : f32
    %max3A_477 = vector.broadcast %max3A_476 : f32 to vector<16xf32>
    %max3A_478 = arith.maximumf %get3A_472, %max3A_477 : vector<16xf32>
    %div3A_479 = arith.divf %get3A_467, %max3A_478 : vector<16xf32>
    %get3A_480 = arith.constant 2 : i32
    %get3A_481 = arith.index_cast %get3A_480 : i32 to index
    %get3A_482 = arith.constant 0 : index
    %get3A_483 = tpu.vector_load %arg6[%get3A_481, %get3A_482] {strides = array<i32>} : memref<4x128xf32, #tpu.memory_space<vmem>>, vector<1x16xf32>,
    %get3A_484 = vector.shape_cast %get3A_483 : vector<1x16xf32> to vector<16xf32>
    %select_n3A_485 = arith.select %gt3A_475, %div3A_479, %get3A_484 : vector<16xi1>, vector<16xf32>
    %swap3A_486 = arith.constant 2 : i32
    %swap3A_487 = arith.index_cast %swap3A_486 : i32 to index
    %swap3A_488 = arith.constant 0 : index
    %swap3A_489 = tpu.vector_load %arg7[%swap3A_487, %swap3A_488] {strides = array<i32>} : memref<4x128xf32, #tpu.memory_space<vmem>>, vector<1x16xf32>,
    %swap3A_490 = vector.shape_cast %swap3A_489 : vector<1x16xf32> to vector<16xf32>
    %swap3A_491 = vector.shape_cast %select_n3A_485 : vector<16xf32> to vector<1x16xf32>
    tpu.vector_store %arg7[%swap3A_487, %swap3A_488], %swap3A_491 {strides = array<i32>} : memref<4x128xf32, #tpu.memory_space<vmem>>, vector<1x16xf32>,
    %get3A_492 = arith.constant 2 : i32
    %get3A_493 = arith.index_cast %get3A_492 : i32 to index
    %get3A_494 = arith.constant 16 : index
    %get3A_495 = tpu.vector_load %arg4[%get3A_493, %get3A_494] {strides = array<i32>} : memref<4x128xf32, #tpu.memory_space<vmem>>, vector<1x16xf32>,
    %get3A_496 = vector.shape_cast %get3A_495 : vector<1x16xf32> to vector<16xf32>
    %get3A_497 = arith.constant 2 : i32
    %get3A_498 = arith.index_cast %get3A_497 : i32 to index
    %get3A_499 = arith.constant 16 : index
    %get3A_500 = tpu.vector_load %arg5[%get3A_498, %get3A_499] {strides = array<i32>} : memref<4x128xf32, #tpu.memory_space<vmem>>, vector<1x16xf32>,
    %get3A_501 = vector.shape_cast %get3A_500 : vector<1x16xf32> to vector<16xf32>
    %gt3A_502 = arith.constant 0.000000e+00 : f32
    %gt3A_503 = vector.broadcast %gt3A_502 : f32 to vector<16xf32>
    %gt3A_504 = arith.cmpf ogt, %get3A_501, %gt3A_503 : vector<16xf32>
    %max3A_505 = arith.constant 1.000000e+00 : f32
    %max3A_506 = vector.broadcast %max3A_505 : f32 to vector<16xf32>
    %max3A_507 = arith.maximumf %get3A_501, %max3A_506 : vector<16xf32>
    %div3A_508 = arith.divf %get3A_496, %max3A_507 : vector<16xf32>
    %get3A_509 = arith.constant 2 : i32
    %get3A_510 = arith.index_cast %get3A_509 : i32 to index
    %get3A_511 = arith.constant 16 : index
    %get3A_512 = tpu.vector_load %arg6[%get3A_510, %get3A_511] {strides = array<i32>} : memref<4x128xf32, #tpu.memory_space<vmem>>, vector<1x16xf32>,
    %get3A_513 = vector.shape_cast %get3A_512 : vector<1x16xf32> to vector<16xf32>
    %select_n3A_514 = arith.select %gt3A_504, %div3A_508, %get3A_513 : vector<16xi1>, vector<16xf32>
    %swap3A_515 = arith.constant 2 : i32
    %swap3A_516 = arith.index_cast %swap3A_515 : i32 to index
    %swap3A_517 = arith.constant 16 : index
    %swap3A_518 = tpu.vector_load %arg7[%swap3A_516, %swap3A_517] {strides = array<i32>} : memref<4x128xf32, #tpu.memory_space<vmem>>, vector<1x16xf32>,
    %swap3A_519 = vector.shape_cast %swap3A_518 : vector<1x16xf32> to vector<16xf32>
    %swap3A_520 = vector.shape_cast %select_n3A_514 : vector<16xf32> to vector<1x16xf32>
    tpu.vector_store %arg7[%swap3A_516, %swap3A_517], %swap3A_520 {strides = array<i32>} : memref<4x128xf32, #tpu.memory_space<vmem>>, vector<1x16xf32>,
    %get3A_521 = arith.constant 2 : i32
    %get3A_522 = arith.index_cast %get3A_521 : i32 to index
    %get3A_523 = arith.constant 32 : index
    %get3A_524 = tpu.vector_load %arg4[%get3A_522, %get3A_523] {strides = array<i32>} : memref<4x128xf32, #tpu.memory_space<vmem>>, vector<1x16xf32>,
    %get3A_525 = vector.shape_cast %get3A_524 : vector<1x16xf32> to vector<16xf32>
    %get3A_526 = arith.constant 2 : i32
    %get3A_527 = arith.index_cast %get3A_526 : i32 to index
    %get3A_528 = arith.constant 32 : index
    %get3A_529 = tpu.vector_load %arg5[%get3A_527, %get3A_528] {strides = array<i32>} : memref<4x128xf32, #tpu.memory_space<vmem>>, vector<1x16xf32>,
    %get3A_530 = vector.shape_cast %get3A_529 : vector<1x16xf32> to vector<16xf32>
    %gt3A_531 = arith.constant 0.000000e+00 : f32
    %gt3A_532 = vector.broadcast %gt3A_531 : f32 to vector<16xf32>
    %gt3A_533 = arith.cmpf ogt, %get3A_530, %gt3A_532 : vector<16xf32>
    %max3A_534 = arith.constant 1.000000e+00 : f32
    %max3A_535 = vector.broadcast %max3A_534 : f32 to vector<16xf32>
    %max3A_536 = arith.maximumf %get3A_530, %max3A_535 : vector<16xf32>
    %div3A_537 = arith.divf %get3A_525, %max3A_536 : vector<16xf32>
    %get3A_538 = arith.constant 2 : i32
    %get3A_539 = arith.index_cast %get3A_538 : i32 to index
    %get3A_540 = arith.constant 32 : index
    %get3A_541 = tpu.vector_load %arg6[%get3A_539, %get3A_540] {strides = array<i32>} : memref<4x128xf32, #tpu.memory_space<vmem>>, vector<1x16xf32>,
    %get3A_542 = vector.shape_cast %get3A_541 : vector<1x16xf32> to vector<16xf32>
    %select_n3A_543 = arith.select %gt3A_533, %div3A_537, %get3A_542 : vector<16xi1>, vector<16xf32>
    %swap3A_544 = arith.constant 2 : i32
    %swap3A_545 = arith.index_cast %swap3A_544 : i32 to index
    %swap3A_546 = arith.constant 32 : index
    %swap3A_547 = tpu.vector_load %arg7[%swap3A_545, %swap3A_546] {strides = array<i32>} : memref<4x128xf32, #tpu.memory_space<vmem>>, vector<1x16xf32>,
    %swap3A_548 = vector.shape_cast %swap3A_547 : vector<1x16xf32> to vector<16xf32>
    %swap3A_549 = vector.shape_cast %select_n3A_543 : vector<16xf32> to vector<1x16xf32>
    tpu.vector_store %arg7[%swap3A_545, %swap3A_546], %swap3A_549 {strides = array<i32>} : memref<4x128xf32, #tpu.memory_space<vmem>>, vector<1x16xf32>,
    %get3A_550 = arith.constant 2 : i32
    %get3A_551 = arith.index_cast %get3A_550 : i32 to index
    %get3A_552 = arith.constant 48 : index
    %get3A_553 = tpu.vector_load %arg4[%get3A_551, %get3A_552] {strides = array<i32>} : memref<4x128xf32, #tpu.memory_space<vmem>>, vector<1x16xf32>,
    %get3A_554 = vector.shape_cast %get3A_553 : vector<1x16xf32> to vector<16xf32>
    %get3A_555 = arith.constant 2 : i32
    %get3A_556 = arith.index_cast %get3A_555 : i32 to index
    %get3A_557 = arith.constant 48 : index
    %get3A_558 = tpu.vector_load %arg5[%get3A_556, %get3A_557] {strides = array<i32>} : memref<4x128xf32, #tpu.memory_space<vmem>>, vector<1x16xf32>,
    %get3A_559 = vector.shape_cast %get3A_558 : vector<1x16xf32> to vector<16xf32>
    %gt3A_560 = arith.constant 0.000000e+00 : f32
    %gt3A_561 = vector.broadcast %gt3A_560 : f32 to vector<16xf32>
    %gt3A_562 = arith.cmpf ogt, %get3A_559, %gt3A_561 : vector<16xf32>
    %max3A_563 = arith.constant 1.000000e+00 : f32
    %max3A_564 = vector.broadcast %max3A_563 : f32 to vector<16xf32>
    %max3A_565 = arith.maximumf %get3A_559, %max3A_564 : vector<16xf32>
    %div3A_566 = arith.divf %get3A_554, %max3A_565 : vector<16xf32>
    %get3A_567 = arith.constant 2 : i32
    %get3A_568 = arith.index_cast %get3A_567 : i32 to index
    %get3A_569 = arith.constant 48 : index
    %get3A_570 = tpu.vector_load %arg6[%get3A_568, %get3A_569] {strides = array<i32>} : memref<4x128xf32, #tpu.memory_space<vmem>>, vector<1x16xf32>,
    %get3A_571 = vector.shape_cast %get3A_570 : vector<1x16xf32> to vector<16xf32>
    %select_n3A_572 = arith.select %gt3A_562, %div3A_566, %get3A_571 : vector<16xi1>, vector<16xf32>
    %swap3A_573 = arith.constant 2 : i32
    %swap3A_574 = arith.index_cast %swap3A_573 : i32 to index
    %swap3A_575 = arith.constant 48 : index
    %swap3A_576 = tpu.vector_load %arg7[%swap3A_574, %swap3A_575] {strides = array<i32>} : memref<4x128xf32, #tpu.memory_space<vmem>>, vector<1x16xf32>,
    %swap3A_577 = vector.shape_cast %swap3A_576 : vector<1x16xf32> to vector<16xf32>
    %swap3A_578 = vector.shape_cast %select_n3A_572 : vector<16xf32> to vector<1x16xf32>
    tpu.vector_store %arg7[%swap3A_574, %swap3A_575], %swap3A_578 {strides = array<i32>} : memref<4x128xf32, #tpu.memory_space<vmem>>, vector<1x16xf32>,
    %get3A_579 = arith.constant 2 : i32
    %get3A_580 = arith.index_cast %get3A_579 : i32 to index
    %get3A_581 = arith.constant 64 : index
    %get3A_582 = tpu.vector_load %arg4[%get3A_580, %get3A_581] {strides = array<i32>} : memref<4x128xf32, #tpu.memory_space<vmem>>, vector<1x16xf32>,
    %get3A_583 = vector.shape_cast %get3A_582 : vector<1x16xf32> to vector<16xf32>
    %get3A_584 = arith.constant 2 : i32
    %get3A_585 = arith.index_cast %get3A_584 : i32 to index
    %get3A_586 = arith.constant 64 : index
    %get3A_587 = tpu.vector_load %arg5[%get3A_585, %get3A_586] {strides = array<i32>} : memref<4x128xf32, #tpu.memory_space<vmem>>, vector<1x16xf32>,
    %get3A_588 = vector.shape_cast %get3A_587 : vector<1x16xf32> to vector<16xf32>
    %gt3A_589 = arith.constant 0.000000e+00 : f32
    %gt3A_590 = vector.broadcast %gt3A_589 : f32 to vector<16xf32>
    %gt3A_591 = arith.cmpf ogt, %get3A_588, %gt3A_590 : vector<16xf32>
    %max3A_592 = arith.constant 1.000000e+00 : f32
    %max3A_593 = vector.broadcast %max3A_592 : f32 to vector<16xf32>
    %max3A_594 = arith.maximumf %get3A_588, %max3A_593 : vector<16xf32>
    %div3A_595 = arith.divf %get3A_583, %max3A_594 : vector<16xf32>
    %get3A_596 = arith.constant 2 : i32
    %get3A_597 = arith.index_cast %get3A_596 : i32 to index
    %get3A_598 = arith.constant 64 : index
    %get3A_599 = tpu.vector_load %arg6[%get3A_597, %get3A_598] {strides = array<i32>} : memref<4x128xf32, #tpu.memory_space<vmem>>, vector<1x16xf32>,
    %get3A_600 = vector.shape_cast %get3A_599 : vector<1x16xf32> to vector<16xf32>
    %select_n3A_601 = arith.select %gt3A_591, %div3A_595, %get3A_600 : vector<16xi1>, vector<16xf32>
    %swap3A_602 = arith.constant 2 : i32
    %swap3A_603 = arith.index_cast %swap3A_602 : i32 to index
    %swap3A_604 = arith.constant 64 : index
    %swap3A_605 = tpu.vector_load %arg7[%swap3A_603, %swap3A_604] {strides = array<i32>} : memref<4x128xf32, #tpu.memory_space<vmem>>, vector<1x16xf32>,
    %swap3A_606 = vector.shape_cast %swap3A_605 : vector<1x16xf32> to vector<16xf32>
    %swap3A_607 = vector.shape_cast %select_n3A_601 : vector<16xf32> to vector<1x16xf32>
    tpu.vector_store %arg7[%swap3A_603, %swap3A_604], %swap3A_607 {strides = array<i32>} : memref<4x128xf32, #tpu.memory_space<vmem>>, vector<1x16xf32>,
    %get3A_608 = arith.constant 2 : i32
    %get3A_609 = arith.index_cast %get3A_608 : i32 to index
    %get3A_610 = arith.constant 80 : index
    %get3A_611 = tpu.vector_load %arg4[%get3A_609, %get3A_610] {strides = array<i32>} : memref<4x128xf32, #tpu.memory_space<vmem>>, vector<1x16xf32>,
    %get3A_612 = vector.shape_cast %get3A_611 : vector<1x16xf32> to vector<16xf32>
    %get3A_613 = arith.constant 2 : i32
    %get3A_614 = arith.index_cast %get3A_613 : i32 to index
    %get3A_615 = arith.constant 80 : index
    %get3A_616 = tpu.vector_load %arg5[%get3A_614, %get3A_615] {strides = array<i32>} : memref<4x128xf32, #tpu.memory_space<vmem>>, vector<1x16xf32>,
    %get3A_617 = vector.shape_cast %get3A_616 : vector<1x16xf32> to vector<16xf32>
    %gt3A_618 = arith.constant 0.000000e+00 : f32
    %gt3A_619 = vector.broadcast %gt3A_618 : f32 to vector<16xf32>
    %gt3A_620 = arith.cmpf ogt, %get3A_617, %gt3A_619 : vector<16xf32>
    %max3A_621 = arith.constant 1.000000e+00 : f32
    %max3A_622 = vector.broadcast %max3A_621 : f32 to vector<16xf32>
    %max3A_623 = arith.maximumf %get3A_617, %max3A_622 : vector<16xf32>
    %div3A_624 = arith.divf %get3A_612, %max3A_623 : vector<16xf32>
    %get3A_625 = arith.constant 2 : i32
    %get3A_626 = arith.index_cast %get3A_625 : i32 to index
    %get3A_627 = arith.constant 80 : index
    %get3A_628 = tpu.vector_load %arg6[%get3A_626, %get3A_627] {strides = array<i32>} : memref<4x128xf32, #tpu.memory_space<vmem>>, vector<1x16xf32>,
    %get3A_629 = vector.shape_cast %get3A_628 : vector<1x16xf32> to vector<16xf32>
    %select_n3A_630 = arith.select %gt3A_620, %div3A_624, %get3A_629 : vector<16xi1>, vector<16xf32>
    %swap3A_631 = arith.constant 2 : i32
    %swap3A_632 = arith.index_cast %swap3A_631 : i32 to index
    %swap3A_633 = arith.constant 80 : index
    %swap3A_634 = tpu.vector_load %arg7[%swap3A_632, %swap3A_633] {strides = array<i32>} : memref<4x128xf32, #tpu.memory_space<vmem>>, vector<1x16xf32>,
    %swap3A_635 = vector.shape_cast %swap3A_634 : vector<1x16xf32> to vector<16xf32>
    %swap3A_636 = vector.shape_cast %select_n3A_630 : vector<16xf32> to vector<1x16xf32>
    tpu.vector_store %arg7[%swap3A_632, %swap3A_633], %swap3A_636 {strides = array<i32>} : memref<4x128xf32, #tpu.memory_space<vmem>>, vector<1x16xf32>,
    %get3A_637 = arith.constant 2 : i32
    %get3A_638 = arith.index_cast %get3A_637 : i32 to index
    %get3A_639 = arith.constant 96 : index
    %get3A_640 = tpu.vector_load %arg4[%get3A_638, %get3A_639] {strides = array<i32>} : memref<4x128xf32, #tpu.memory_space<vmem>>, vector<1x16xf32>,
    %get3A_641 = vector.shape_cast %get3A_640 : vector<1x16xf32> to vector<16xf32>
    %get3A_642 = arith.constant 2 : i32
    %get3A_643 = arith.index_cast %get3A_642 : i32 to index
    %get3A_644 = arith.constant 96 : index
    %get3A_645 = tpu.vector_load %arg5[%get3A_643, %get3A_644] {strides = array<i32>} : memref<4x128xf32, #tpu.memory_space<vmem>>, vector<1x16xf32>,
    %get3A_646 = vector.shape_cast %get3A_645 : vector<1x16xf32> to vector<16xf32>
    %gt3A_647 = arith.constant 0.000000e+00 : f32
    %gt3A_648 = vector.broadcast %gt3A_647 : f32 to vector<16xf32>
    %gt3A_649 = arith.cmpf ogt, %get3A_646, %gt3A_648 : vector<16xf32>
    %max3A_650 = arith.constant 1.000000e+00 : f32
    %max3A_651 = vector.broadcast %max3A_650 : f32 to vector<16xf32>
    %max3A_652 = arith.maximumf %get3A_646, %max3A_651 : vector<16xf32>
    %div3A_653 = arith.divf %get3A_641, %max3A_652 : vector<16xf32>
    %get3A_654 = arith.constant 2 : i32
    %get3A_655 = arith.index_cast %get3A_654 : i32 to index
    %get3A_656 = arith.constant 96 : index
    %get3A_657 = tpu.vector_load %arg6[%get3A_655, %get3A_656] {strides = array<i32>} : memref<4x128xf32, #tpu.memory_space<vmem>>, vector<1x16xf32>,
    %get3A_658 = vector.shape_cast %get3A_657 : vector<1x16xf32> to vector<16xf32>
    %select_n3A_659 = arith.select %gt3A_649, %div3A_653, %get3A_658 : vector<16xi1>, vector<16xf32>
    %swap3A_660 = arith.constant 2 : i32
    %swap3A_661 = arith.index_cast %swap3A_660 : i32 to index
    %swap3A_662 = arith.constant 96 : index
    %swap3A_663 = tpu.vector_load %arg7[%swap3A_661, %swap3A_662] {strides = array<i32>} : memref<4x128xf32, #tpu.memory_space<vmem>>, vector<1x16xf32>,
    %swap3A_664 = vector.shape_cast %swap3A_663 : vector<1x16xf32> to vector<16xf32>
    %swap3A_665 = vector.shape_cast %select_n3A_659 : vector<16xf32> to vector<1x16xf32>
    tpu.vector_store %arg7[%swap3A_661, %swap3A_662], %swap3A_665 {strides = array<i32>} : memref<4x128xf32, #tpu.memory_space<vmem>>, vector<1x16xf32>,
    %get3A_666 = arith.constant 2 : i32
    %get3A_667 = arith.index_cast %get3A_666 : i32 to index
    %get3A_668 = arith.constant 112 : index
    %get3A_669 = tpu.vector_load %arg4[%get3A_667, %get3A_668] {strides = array<i32>} : memref<4x128xf32, #tpu.memory_space<vmem>>, vector<1x16xf32>,
    %get3A_670 = vector.shape_cast %get3A_669 : vector<1x16xf32> to vector<16xf32>
    %get3A_671 = arith.constant 2 : i32
    %get3A_672 = arith.index_cast %get3A_671 : i32 to index
    %get3A_673 = arith.constant 112 : index
    %get3A_674 = tpu.vector_load %arg5[%get3A_672, %get3A_673] {strides = array<i32>} : memref<4x128xf32, #tpu.memory_space<vmem>>, vector<1x16xf32>,
    %get3A_675 = vector.shape_cast %get3A_674 : vector<1x16xf32> to vector<16xf32>
    %gt3A_676 = arith.constant 0.000000e+00 : f32
    %gt3A_677 = vector.broadcast %gt3A_676 : f32 to vector<16xf32>
    %gt3A_678 = arith.cmpf ogt, %get3A_675, %gt3A_677 : vector<16xf32>
    %max3A_679 = arith.constant 1.000000e+00 : f32
    %max3A_680 = vector.broadcast %max3A_679 : f32 to vector<16xf32>
    %max3A_681 = arith.maximumf %get3A_675, %max3A_680 : vector<16xf32>
    %div3A_682 = arith.divf %get3A_670, %max3A_681 : vector<16xf32>
    %get3A_683 = arith.constant 2 : i32
    %get3A_684 = arith.index_cast %get3A_683 : i32 to index
    %get3A_685 = arith.constant 112 : index
    %get3A_686 = tpu.vector_load %arg6[%get3A_684, %get3A_685] {strides = array<i32>} : memref<4x128xf32, #tpu.memory_space<vmem>>, vector<1x16xf32>,
    %get3A_687 = vector.shape_cast %get3A_686 : vector<1x16xf32> to vector<16xf32>
    %select_n3A_688 = arith.select %gt3A_678, %div3A_682, %get3A_687 : vector<16xi1>, vector<16xf32>
    %swap3A_689 = arith.constant 2 : i32
    %swap3A_690 = arith.index_cast %swap3A_689 : i32 to index
    %swap3A_691 = arith.constant 112 : index
    %swap3A_692 = tpu.vector_load %arg7[%swap3A_690, %swap3A_691] {strides = array<i32>} : memref<4x128xf32, #tpu.memory_space<vmem>>, vector<1x16xf32>,
    %swap3A_693 = vector.shape_cast %swap3A_692 : vector<1x16xf32> to vector<16xf32>
    %swap3A_694 = vector.shape_cast %select_n3A_688 : vector<16xf32> to vector<1x16xf32>
    tpu.vector_store %arg7[%swap3A_690, %swap3A_691], %swap3A_694 {strides = array<i32>} : memref<4x128xf32, #tpu.memory_space<vmem>>, vector<1x16xf32>,
    %get3A_695 = arith.constant 3 : i32
    %get3A_696 = arith.index_cast %get3A_695 : i32 to index
    %get3A_697 = arith.constant 0 : index
    %get3A_698 = tpu.vector_load %arg4[%get3A_696, %get3A_697] {strides = array<i32>} : memref<4x128xf32, #tpu.memory_space<vmem>>, vector<1x16xf32>,
    %get3A_699 = vector.shape_cast %get3A_698 : vector<1x16xf32> to vector<16xf32>
    %get3A_700 = arith.constant 3 : i32
    %get3A_701 = arith.index_cast %get3A_700 : i32 to index
    %get3A_702 = arith.constant 0 : index
    %get3A_703 = tpu.vector_load %arg5[%get3A_701, %get3A_702] {strides = array<i32>} : memref<4x128xf32, #tpu.memory_space<vmem>>, vector<1x16xf32>,
    %get3A_704 = vector.shape_cast %get3A_703 : vector<1x16xf32> to vector<16xf32>
    %gt3A_705 = arith.constant 0.000000e+00 : f32
    %gt3A_706 = vector.broadcast %gt3A_705 : f32 to vector<16xf32>
    %gt3A_707 = arith.cmpf ogt, %get3A_704, %gt3A_706 : vector<16xf32>
    %max3A_708 = arith.constant 1.000000e+00 : f32
    %max3A_709 = vector.broadcast %max3A_708 : f32 to vector<16xf32>
    %max3A_710 = arith.maximumf %get3A_704, %max3A_709 : vector<16xf32>
    %div3A_711 = arith.divf %get3A_699, %max3A_710 : vector<16xf32>
    %get3A_712 = arith.constant 3 : i32
    %get3A_713 = arith.index_cast %get3A_712 : i32 to index
    %get3A_714 = arith.constant 0 : index
    %get3A_715 = tpu.vector_load %arg6[%get3A_713, %get3A_714] {strides = array<i32>} : memref<4x128xf32, #tpu.memory_space<vmem>>, vector<1x16xf32>,
    %get3A_716 = vector.shape_cast %get3A_715 : vector<1x16xf32> to vector<16xf32>
    %select_n3A_717 = arith.select %gt3A_707, %div3A_711, %get3A_716 : vector<16xi1>, vector<16xf32>
    %swap3A_718 = arith.constant 3 : i32
    %swap3A_719 = arith.index_cast %swap3A_718 : i32 to index
    %swap3A_720 = arith.constant 0 : index
    %swap3A_721 = tpu.vector_load %arg7[%swap3A_719, %swap3A_720] {strides = array<i32>} : memref<4x128xf32, #tpu.memory_space<vmem>>, vector<1x16xf32>,
    %swap3A_722 = vector.shape_cast %swap3A_721 : vector<1x16xf32> to vector<16xf32>
    %swap3A_723 = vector.shape_cast %select_n3A_717 : vector<16xf32> to vector<1x16xf32>
    tpu.vector_store %arg7[%swap3A_719, %swap3A_720], %swap3A_723 {strides = array<i32>} : memref<4x128xf32, #tpu.memory_space<vmem>>, vector<1x16xf32>,
    %get3A_724 = arith.constant 3 : i32
    %get3A_725 = arith.index_cast %get3A_724 : i32 to index
    %get3A_726 = arith.constant 16 : index
    %get3A_727 = tpu.vector_load %arg4[%get3A_725, %get3A_726] {strides = array<i32>} : memref<4x128xf32, #tpu.memory_space<vmem>>, vector<1x16xf32>,
    %get3A_728 = vector.shape_cast %get3A_727 : vector<1x16xf32> to vector<16xf32>
    %get3A_729 = arith.constant 3 : i32
    %get3A_730 = arith.index_cast %get3A_729 : i32 to index
    %get3A_731 = arith.constant 16 : index
    %get3A_732 = tpu.vector_load %arg5[%get3A_730, %get3A_731] {strides = array<i32>} : memref<4x128xf32, #tpu.memory_space<vmem>>, vector<1x16xf32>,
    %get3A_733 = vector.shape_cast %get3A_732 : vector<1x16xf32> to vector<16xf32>
    %gt3A_734 = arith.constant 0.000000e+00 : f32
    %gt3A_735 = vector.broadcast %gt3A_734 : f32 to vector<16xf32>
    %gt3A_736 = arith.cmpf ogt, %get3A_733, %gt3A_735 : vector<16xf32>
    %max3A_737 = arith.constant 1.000000e+00 : f32
    %max3A_738 = vector.broadcast %max3A_737 : f32 to vector<16xf32>
    %max3A_739 = arith.maximumf %get3A_733, %max3A_738 : vector<16xf32>
    %div3A_740 = arith.divf %get3A_728, %max3A_739 : vector<16xf32>
    %get3A_741 = arith.constant 3 : i32
    %get3A_742 = arith.index_cast %get3A_741 : i32 to index
    %get3A_743 = arith.constant 16 : index
    %get3A_744 = tpu.vector_load %arg6[%get3A_742, %get3A_743] {strides = array<i32>} : memref<4x128xf32, #tpu.memory_space<vmem>>, vector<1x16xf32>,
    %get3A_745 = vector.shape_cast %get3A_744 : vector<1x16xf32> to vector<16xf32>
    %select_n3A_746 = arith.select %gt3A_736, %div3A_740, %get3A_745 : vector<16xi1>, vector<16xf32>
    %swap3A_747 = arith.constant 3 : i32
    %swap3A_748 = arith.index_cast %swap3A_747 : i32 to index
    %swap3A_749 = arith.constant 16 : index
    %swap3A_750 = tpu.vector_load %arg7[%swap3A_748, %swap3A_749] {strides = array<i32>} : memref<4x128xf32, #tpu.memory_space<vmem>>, vector<1x16xf32>,
    %swap3A_751 = vector.shape_cast %swap3A_750 : vector<1x16xf32> to vector<16xf32>
    %swap3A_752 = vector.shape_cast %select_n3A_746 : vector<16xf32> to vector<1x16xf32>
    tpu.vector_store %arg7[%swap3A_748, %swap3A_749], %swap3A_752 {strides = array<i32>} : memref<4x128xf32, #tpu.memory_space<vmem>>, vector<1x16xf32>,
    %get3A_753 = arith.constant 3 : i32
    %get3A_754 = arith.index_cast %get3A_753 : i32 to index
    %get3A_755 = arith.constant 32 : index
    %get3A_756 = tpu.vector_load %arg4[%get3A_754, %get3A_755] {strides = array<i32>} : memref<4x128xf32, #tpu.memory_space<vmem>>, vector<1x16xf32>,
    %get3A_757 = vector.shape_cast %get3A_756 : vector<1x16xf32> to vector<16xf32>
    %get3A_758 = arith.constant 3 : i32
    %get3A_759 = arith.index_cast %get3A_758 : i32 to index
    %get3A_760 = arith.constant 32 : index
    %get3A_761 = tpu.vector_load %arg5[%get3A_759, %get3A_760] {strides = array<i32>} : memref<4x128xf32, #tpu.memory_space<vmem>>, vector<1x16xf32>,
    %get3A_762 = vector.shape_cast %get3A_761 : vector<1x16xf32> to vector<16xf32>
    %gt3A_763 = arith.constant 0.000000e+00 : f32
    %gt3A_764 = vector.broadcast %gt3A_763 : f32 to vector<16xf32>
    %gt3A_765 = arith.cmpf ogt, %get3A_762, %gt3A_764 : vector<16xf32>
    %max3A_766 = arith.constant 1.000000e+00 : f32
    %max3A_767 = vector.broadcast %max3A_766 : f32 to vector<16xf32>
    %max3A_768 = arith.maximumf %get3A_762, %max3A_767 : vector<16xf32>
    %div3A_769 = arith.divf %get3A_757, %max3A_768 : vector<16xf32>
    %get3A_770 = arith.constant 3 : i32
    %get3A_771 = arith.index_cast %get3A_770 : i32 to index
    %get3A_772 = arith.constant 32 : index
    %get3A_773 = tpu.vector_load %arg6[%get3A_771, %get3A_772] {strides = array<i32>} : memref<4x128xf32, #tpu.memory_space<vmem>>, vector<1x16xf32>,
    %get3A_774 = vector.shape_cast %get3A_773 : vector<1x16xf32> to vector<16xf32>
    %select_n3A_775 = arith.select %gt3A_765, %div3A_769, %get3A_774 : vector<16xi1>, vector<16xf32>
    %swap3A_776 = arith.constant 3 : i32
    %swap3A_777 = arith.index_cast %swap3A_776 : i32 to index
    %swap3A_778 = arith.constant 32 : index
    %swap3A_779 = tpu.vector_load %arg7[%swap3A_777, %swap3A_778] {strides = array<i32>} : memref<4x128xf32, #tpu.memory_space<vmem>>, vector<1x16xf32>,
    %swap3A_780 = vector.shape_cast %swap3A_779 : vector<1x16xf32> to vector<16xf32>
    %swap3A_781 = vector.shape_cast %select_n3A_775 : vector<16xf32> to vector<1x16xf32>
    tpu.vector_store %arg7[%swap3A_777, %swap3A_778], %swap3A_781 {strides = array<i32>} : memref<4x128xf32, #tpu.memory_space<vmem>>, vector<1x16xf32>,
    %get3A_782 = arith.constant 3 : i32
    %get3A_783 = arith.index_cast %get3A_782 : i32 to index
    %get3A_784 = arith.constant 48 : index
    %get3A_785 = tpu.vector_load %arg4[%get3A_783, %get3A_784] {strides = array<i32>} : memref<4x128xf32, #tpu.memory_space<vmem>>, vector<1x16xf32>,
    %get3A_786 = vector.shape_cast %get3A_785 : vector<1x16xf32> to vector<16xf32>
    %get3A_787 = arith.constant 3 : i32
    %get3A_788 = arith.index_cast %get3A_787 : i32 to index
    %get3A_789 = arith.constant 48 : index
    %get3A_790 = tpu.vector_load %arg5[%get3A_788, %get3A_789] {strides = array<i32>} : memref<4x128xf32, #tpu.memory_space<vmem>>, vector<1x16xf32>,
    %get3A_791 = vector.shape_cast %get3A_790 : vector<1x16xf32> to vector<16xf32>
    %gt3A_792 = arith.constant 0.000000e+00 : f32
    %gt3A_793 = vector.broadcast %gt3A_792 : f32 to vector<16xf32>
    %gt3A_794 = arith.cmpf ogt, %get3A_791, %gt3A_793 : vector<16xf32>
    %max3A_795 = arith.constant 1.000000e+00 : f32
    %max3A_796 = vector.broadcast %max3A_795 : f32 to vector<16xf32>
    %max3A_797 = arith.maximumf %get3A_791, %max3A_796 : vector<16xf32>
    %div3A_798 = arith.divf %get3A_786, %max3A_797 : vector<16xf32>
    %get3A_799 = arith.constant 3 : i32
    %get3A_800 = arith.index_cast %get3A_799 : i32 to index
    %get3A_801 = arith.constant 48 : index
    %get3A_802 = tpu.vector_load %arg6[%get3A_800, %get3A_801] {strides = array<i32>} : memref<4x128xf32, #tpu.memory_space<vmem>>, vector<1x16xf32>,
    %get3A_803 = vector.shape_cast %get3A_802 : vector<1x16xf32> to vector<16xf32>
    %select_n3A_804 = arith.select %gt3A_794, %div3A_798, %get3A_803 : vector<16xi1>, vector<16xf32>
    %swap3A_805 = arith.constant 3 : i32
    %swap3A_806 = arith.index_cast %swap3A_805 : i32 to index
    %swap3A_807 = arith.constant 48 : index
    %swap3A_808 = tpu.vector_load %arg7[%swap3A_806, %swap3A_807] {strides = array<i32>} : memref<4x128xf32, #tpu.memory_space<vmem>>, vector<1x16xf32>,
    %swap3A_809 = vector.shape_cast %swap3A_808 : vector<1x16xf32> to vector<16xf32>
    %swap3A_810 = vector.shape_cast %select_n3A_804 : vector<16xf32> to vector<1x16xf32>
    tpu.vector_store %arg7[%swap3A_806, %swap3A_807], %swap3A_810 {strides = array<i32>} : memref<4x128xf32, #tpu.memory_space<vmem>>, vector<1x16xf32>,
    %get3A_811 = arith.constant 3 : i32
    %get3A_812 = arith.index_cast %get3A_811 : i32 to index
    %get3A_813 = arith.constant 64 : index
    %get3A_814 = tpu.vector_load %arg4[%get3A_812, %get3A_813] {strides = array<i32>} : memref<4x128xf32, #tpu.memory_space<vmem>>, vector<1x16xf32>,
    %get3A_815 = vector.shape_cast %get3A_814 : vector<1x16xf32> to vector<16xf32>
    %get3A_816 = arith.constant 3 : i32
    %get3A_817 = arith.index_cast %get3A_816 : i32 to index
    %get3A_818 = arith.constant 64 : index
    %get3A_819 = tpu.vector_load %arg5[%get3A_817, %get3A_818] {strides = array<i32>} : memref<4x128xf32, #tpu.memory_space<vmem>>, vector<1x16xf32>,
    %get3A_820 = vector.shape_cast %get3A_819 : vector<1x16xf32> to vector<16xf32>
    %gt3A_821 = arith.constant 0.000000e+00 : f32
    %gt3A_822 = vector.broadcast %gt3A_821 : f32 to vector<16xf32>
    %gt3A_823 = arith.cmpf ogt, %get3A_820, %gt3A_822 : vector<16xf32>
    %max3A_824 = arith.constant 1.000000e+00 : f32
    %max3A_825 = vector.broadcast %max3A_824 : f32 to vector<16xf32>
    %max3A_826 = arith.maximumf %get3A_820, %max3A_825 : vector<16xf32>
    %div3A_827 = arith.divf %get3A_815, %max3A_826 : vector<16xf32>
    %get3A_828 = arith.constant 3 : i32
    %get3A_829 = arith.index_cast %get3A_828 : i32 to index
    %get3A_830 = arith.constant 64 : index
    %get3A_831 = tpu.vector_load %arg6[%get3A_829, %get3A_830] {strides = array<i32>} : memref<4x128xf32, #tpu.memory_space<vmem>>, vector<1x16xf32>,
    %get3A_832 = vector.shape_cast %get3A_831 : vector<1x16xf32> to vector<16xf32>
    %select_n3A_833 = arith.select %gt3A_823, %div3A_827, %get3A_832 : vector<16xi1>, vector<16xf32>
    %swap3A_834 = arith.constant 3 : i32
    %swap3A_835 = arith.index_cast %swap3A_834 : i32 to index
    %swap3A_836 = arith.constant 64 : index
    %swap3A_837 = tpu.vector_load %arg7[%swap3A_835, %swap3A_836] {strides = array<i32>} : memref<4x128xf32, #tpu.memory_space<vmem>>, vector<1x16xf32>,
    %swap3A_838 = vector.shape_cast %swap3A_837 : vector<1x16xf32> to vector<16xf32>
    %swap3A_839 = vector.shape_cast %select_n3A_833 : vector<16xf32> to vector<1x16xf32>
    tpu.vector_store %arg7[%swap3A_835, %swap3A_836], %swap3A_839 {strides = array<i32>} : memref<4x128xf32, #tpu.memory_space<vmem>>, vector<1x16xf32>,
    %get3A_840 = arith.constant 3 : i32
    %get3A_841 = arith.index_cast %get3A_840 : i32 to index
    %get3A_842 = arith.constant 80 : index
    %get3A_843 = tpu.vector_load %arg4[%get3A_841, %get3A_842] {strides = array<i32>} : memref<4x128xf32, #tpu.memory_space<vmem>>, vector<1x16xf32>,
    %get3A_844 = vector.shape_cast %get3A_843 : vector<1x16xf32> to vector<16xf32>
    %get3A_845 = arith.constant 3 : i32
    %get3A_846 = arith.index_cast %get3A_845 : i32 to index
    %get3A_847 = arith.constant 80 : index
    %get3A_848 = tpu.vector_load %arg5[%get3A_846, %get3A_847] {strides = array<i32>} : memref<4x128xf32, #tpu.memory_space<vmem>>, vector<1x16xf32>,
    %get3A_849 = vector.shape_cast %get3A_848 : vector<1x16xf32> to vector<16xf32>
    %gt3A_850 = arith.constant 0.000000e+00 : f32
    %gt3A_851 = vector.broadcast %gt3A_850 : f32 to vector<16xf32>
    %gt3A_852 = arith.cmpf ogt, %get3A_849, %gt3A_851 : vector<16xf32>
    %max3A_853 = arith.constant 1.000000e+00 : f32
    %max3A_854 = vector.broadcast %max3A_853 : f32 to vector<16xf32>
    %max3A_855 = arith.maximumf %get3A_849, %max3A_854 : vector<16xf32>
    %div3A_856 = arith.divf %get3A_844, %max3A_855 : vector<16xf32>
    %get3A_857 = arith.constant 3 : i32
    %get3A_858 = arith.index_cast %get3A_857 : i32 to index
    %get3A_859 = arith.constant 80 : index
    %get3A_860 = tpu.vector_load %arg6[%get3A_858, %get3A_859] {strides = array<i32>} : memref<4x128xf32, #tpu.memory_space<vmem>>, vector<1x16xf32>,
    %get3A_861 = vector.shape_cast %get3A_860 : vector<1x16xf32> to vector<16xf32>
    %select_n3A_862 = arith.select %gt3A_852, %div3A_856, %get3A_861 : vector<16xi1>, vector<16xf32>
    %swap3A_863 = arith.constant 3 : i32
    %swap3A_864 = arith.index_cast %swap3A_863 : i32 to index
    %swap3A_865 = arith.constant 80 : index
    %swap3A_866 = tpu.vector_load %arg7[%swap3A_864, %swap3A_865] {strides = array<i32>} : memref<4x128xf32, #tpu.memory_space<vmem>>, vector<1x16xf32>,
    %swap3A_867 = vector.shape_cast %swap3A_866 : vector<1x16xf32> to vector<16xf32>
    %swap3A_868 = vector.shape_cast %select_n3A_862 : vector<16xf32> to vector<1x16xf32>
    tpu.vector_store %arg7[%swap3A_864, %swap3A_865], %swap3A_868 {strides = array<i32>} : memref<4x128xf32, #tpu.memory_space<vmem>>, vector<1x16xf32>,
    %get3A_869 = arith.constant 3 : i32
    %get3A_870 = arith.index_cast %get3A_869 : i32 to index
    %get3A_871 = arith.constant 96 : index
    %get3A_872 = tpu.vector_load %arg4[%get3A_870, %get3A_871] {strides = array<i32>} : memref<4x128xf32, #tpu.memory_space<vmem>>, vector<1x16xf32>,
    %get3A_873 = vector.shape_cast %get3A_872 : vector<1x16xf32> to vector<16xf32>
    %get3A_874 = arith.constant 3 : i32
    %get3A_875 = arith.index_cast %get3A_874 : i32 to index
    %get3A_876 = arith.constant 96 : index
    %get3A_877 = tpu.vector_load %arg5[%get3A_875, %get3A_876] {strides = array<i32>} : memref<4x128xf32, #tpu.memory_space<vmem>>, vector<1x16xf32>,
    %get3A_878 = vector.shape_cast %get3A_877 : vector<1x16xf32> to vector<16xf32>
    %gt3A_879 = arith.constant 0.000000e+00 : f32
    %gt3A_880 = vector.broadcast %gt3A_879 : f32 to vector<16xf32>
    %gt3A_881 = arith.cmpf ogt, %get3A_878, %gt3A_880 : vector<16xf32>
    %max3A_882 = arith.constant 1.000000e+00 : f32
    %max3A_883 = vector.broadcast %max3A_882 : f32 to vector<16xf32>
    %max3A_884 = arith.maximumf %get3A_878, %max3A_883 : vector<16xf32>
    %div3A_885 = arith.divf %get3A_873, %max3A_884 : vector<16xf32>
    %get3A_886 = arith.constant 3 : i32
    %get3A_887 = arith.index_cast %get3A_886 : i32 to index
    %get3A_888 = arith.constant 96 : index
    %get3A_889 = tpu.vector_load %arg6[%get3A_887, %get3A_888] {strides = array<i32>} : memref<4x128xf32, #tpu.memory_space<vmem>>, vector<1x16xf32>,
    %get3A_890 = vector.shape_cast %get3A_889 : vector<1x16xf32> to vector<16xf32>
    %select_n3A_891 = arith.select %gt3A_881, %div3A_885, %get3A_890 : vector<16xi1>, vector<16xf32>
    %swap3A_892 = arith.constant 3 : i32
    %swap3A_893 = arith.index_cast %swap3A_892 : i32 to index
    %swap3A_894 = arith.constant 96 : index
    %swap3A_895 = tpu.vector_load %arg7[%swap3A_893, %swap3A_894] {strides = array<i32>} : memref<4x128xf32, #tpu.memory_space<vmem>>, vector<1x16xf32>,
    %swap3A_896 = vector.shape_cast %swap3A_895 : vector<1x16xf32> to vector<16xf32>
    %swap3A_897 = vector.shape_cast %select_n3A_891 : vector<16xf32> to vector<1x16xf32>
    tpu.vector_store %arg7[%swap3A_893, %swap3A_894], %swap3A_897 {strides = array<i32>} : memref<4x128xf32, #tpu.memory_space<vmem>>, vector<1x16xf32>,
    %get3A_898 = arith.constant 3 : i32
    %get3A_899 = arith.index_cast %get3A_898 : i32 to index
    %get3A_900 = arith.constant 112 : index
    %get3A_901 = tpu.vector_load %arg4[%get3A_899, %get3A_900] {strides = array<i32>} : memref<4x128xf32, #tpu.memory_space<vmem>>, vector<1x16xf32>,
    %get3A_902 = vector.shape_cast %get3A_901 : vector<1x16xf32> to vector<16xf32>
    %get3A_903 = arith.constant 3 : i32
    %get3A_904 = arith.index_cast %get3A_903 : i32 to index
    %get3A_905 = arith.constant 112 : index
    %get3A_906 = tpu.vector_load %arg5[%get3A_904, %get3A_905] {strides = array<i32>} : memref<4x128xf32, #tpu.memory_space<vmem>>, vector<1x16xf32>,
    %get3A_907 = vector.shape_cast %get3A_906 : vector<1x16xf32> to vector<16xf32>
    %gt3A_908 = arith.constant 0.000000e+00 : f32
    %gt3A_909 = vector.broadcast %gt3A_908 : f32 to vector<16xf32>
    %gt3A_910 = arith.cmpf ogt, %get3A_907, %gt3A_909 : vector<16xf32>
    %max3A_911 = arith.constant 1.000000e+00 : f32
    %max3A_912 = vector.broadcast %max3A_911 : f32 to vector<16xf32>
    %max3A_913 = arith.maximumf %get3A_907, %max3A_912 : vector<16xf32>
    %div3A_914 = arith.divf %get3A_902, %max3A_913 : vector<16xf32>
    %get3A_915 = arith.constant 3 : i32
    %get3A_916 = arith.index_cast %get3A_915 : i32 to index
    %get3A_917 = arith.constant 112 : index
    %get3A_918 = tpu.vector_load %arg6[%get3A_916, %get3A_917] {strides = array<i32>} : memref<4x128xf32, #tpu.memory_space<vmem>>, vector<1x16xf32>,
    %get3A_919 = vector.shape_cast %get3A_918 : vector<1x16xf32> to vector<16xf32>
    %select_n3A_920 = arith.select %gt3A_910, %div3A_914, %get3A_919 : vector<16xi1>, vector<16xf32>
    %swap3A_921 = arith.constant 3 : i32
    %swap3A_922 = arith.index_cast %swap3A_921 : i32 to index
    %swap3A_923 = arith.constant 112 : index
    %swap3A_924 = tpu.vector_load %arg7[%swap3A_922, %swap3A_923] {strides = array<i32>} : memref<4x128xf32, #tpu.memory_space<vmem>>, vector<1x16xf32>,
    %swap3A_925 = vector.shape_cast %swap3A_924 : vector<1x16xf32> to vector<16xf32>
    %swap3A_926 = vector.shape_cast %select_n3A_920 : vector<16xf32> to vector<1x16xf32>
    tpu.vector_store %arg7[%swap3A_922, %swap3A_923], %swap3A_926 {strides = array<i32>} : memref<4x128xf32, #tpu.memory_space<vmem>>, vector<1x16xf32>,
    "tpu.region"() ({
      %run_scoped3A = tpu.sem_alloc : memref<!tpu.dma_semaphore, #tpu.memory_space<semaphore_mem>>
      %dma_start3A = arith.constant 0 : i32
      %dma_start3A_927 = tpu.memref_slice %arg3[%mul3A_0, %dma_start3A] : memref<64x128xf32, #tpu.memory_space<hbm>> -> memref<4x128xf32, #tpu.memory_space<hbm>>
      %dma_start3A_928 = arith.constant 0 : i32
      %dma_start3A_929 = tpu.memref_slice %arg3[%mul3A_0, %dma_start3A_928] : memref<64x128xf32, #tpu.memory_space<hbm>> -> memref<4x128xf32, #tpu.memory_space<hbm>>
      tpu.enqueue_dma source(%arg7 : memref<4x128xf32, #tpu.memory_space<vmem>>) target(%dma_start3A_929 : memref<4x128xf32, #tpu.memory_space<hbm>>) target_semaphore(%run_scoped3A : memref<!tpu.dma_semaphore, #tpu.memory_space<semaphore_mem>>)
      %dma_wait3A = arith.constant 0 : i32
      %dma_wait3A_930 = tpu.memref_slice %arg3[%mul3A_0, %dma_wait3A] : memref<64x128xf32, #tpu.memory_space<hbm>> -> memref<4x128xf32, #tpu.memory_space<hbm>>
      %dma_wait3A_931 = arith.constant 0 : i32
      %dma_wait3A_932 = tpu.memref_slice %arg3[%mul3A_0, %dma_wait3A_931] : memref<64x128xf32, #tpu.memory_space<hbm>> -> memref<4x128xf32, #tpu.memory_space<hbm>>
      tpu.wait_dma2 semaphore(%run_scoped3A : memref<!tpu.dma_semaphore, #tpu.memory_space<semaphore_mem>>) src(%arg7 : memref<4x128xf32, #tpu.memory_space<vmem>>) dst(%dma_wait3A_932 : memref<4x128xf32, #tpu.memory_space<hbm>>)
      tpu.yield
    }) : () -> ()
    return
  }
}

module attributes {stable_mosaic.version = 14 : i64} {
  func.func @_tc_body(%arg0: i32, %arg1: memref<10000x128xf32, #tpu.memory_space<vmem>>, %arg2: memref<128x64xf32, #tpu.memory_space<vmem>>, %arg3: memref<64x128xf32, #tpu.memory_space<vmem>>, %arg4: memref<192x128xf32, #tpu.memory_space<vmem>>, %arg5: memref<1x64xf32, #tpu.memory_space<vmem>>, %arg6: memref<1x64xf32, #tpu.memory_space<vmem>>) attributes {dimension_semantics = [#tpu.dimension_semantics<arbitrary>], iteration_bounds = array<i64: 10>, scalar_prefetch = 0 : i64, scratch_operands = 2 : i64, tpu.core_type = #tpu.core_type<tc>, window_params = [{transform_indices = @transform_0, window_bounds = array<i64: 10000, 128>}, {pipeline_mode = #tpu.pipeline_mode<synchronous>, transform_indices = @transform_1, window_bounds = array<i64: 128, 64>}, {pipeline_mode = #tpu.pipeline_mode<synchronous>, transform_indices = @transform_2, window_bounds = array<i64: 64, 128>}, {pipeline_mode = #tpu.pipeline_mode<synchronous>, transform_indices = @transform_3, window_bounds = array<i64: 192, 128>}]} {
    %eq3A = arith.constant 0 : i32
    %eq3A_0 = arith.cmpi eq, %arg0, %eq3A : i32
    %convert_element_type3A = arith.extui %eq3A_0 : i1 to i32
    %cond3A = arith.constant 0 : i32
    %cond3A_1 = arith.cmpi ne, %convert_element_type3A, %cond3A : i32
    scf.if %cond3A_1 {
      %broadcast_in_dim3A_40 = arith.constant 0.000000e+00 : f32
      %broadcast_in_dim3A_41 = vector.broadcast %broadcast_in_dim3A_40 : f32 to vector<64x128xf32>
      %swap3A_42 = arith.constant 0 : index
      %swap3A_43 = arith.constant 0 : index
      %swap3A_44 = vector.load %arg4[%swap3A_42, %swap3A_43] : memref<192x128xf32, #tpu.memory_space<vmem>>, vector<64x128xf32>
      tpu.vector_store %arg4[%swap3A_42, %swap3A_43], %broadcast_in_dim3A_41 {strides = array<i32>} : memref<192x128xf32, #tpu.memory_space<vmem>>, vector<64x128xf32>,
      %broadcast_in_dim3A_45 = arith.constant 0.000000e+00 : f32
      %broadcast_in_dim3A_46 = vector.broadcast %broadcast_in_dim3A_45 : f32 to vector<1x64xf32>
      %swap3A_47 = arith.constant 0 : index
      %swap3A_48 = arith.constant 0 : index
      %swap3A_49 = vector.load %arg5[%swap3A_47, %swap3A_48] : memref<1x64xf32, #tpu.memory_space<vmem>>, vector<1x64xf32>
      tpu.vector_store %arg5[%swap3A_47, %swap3A_48], %broadcast_in_dim3A_46 {strides = array<i32>} : memref<1x64xf32, #tpu.memory_space<vmem>>, vector<1x64xf32>,
      %get3A_50 = arith.constant 0 : index
      %get3A_51 = arith.constant 0 : index
      %get3A_52 = vector.load %arg2[%get3A_50, %get3A_51] : memref<128x64xf32, #tpu.memory_space<vmem>>, vector<128x64xf32>
      %mul3A = arith.mulf %get3A_52, %get3A_52 : vector<128x64xf32>
      %reduce_sum3A_53 = arith.constant dense<0.000000e+00> : vector<64xf32>
      %reduce_sum3A_54 = vector.multi_reduction <add>, %mul3A, %reduce_sum3A_53 [0] : vector<128x64xf32> to vector<64xf32>
      %broadcast_in_dim3A_55 = vector.shape_cast %reduce_sum3A_54 : vector<64xf32> to vector<1x64xf32>
      %mul3A_56 = arith.constant 2.500000e-01 : f32
      %mul3A_57 = vector.broadcast %mul3A_56 : f32 to vector<1x64xf32>
      %mul3A_58 = arith.mulf %mul3A_57, %broadcast_in_dim3A_55 : vector<1x64xf32>
      %swap3A_59 = arith.constant 0 : index
      %swap3A_60 = arith.constant 0 : index
      %swap3A_61 = vector.load %arg6[%swap3A_59, %swap3A_60] : memref<1x64xf32, #tpu.memory_space<vmem>>, vector<1x64xf32>
      tpu.vector_store %arg6[%swap3A_59, %swap3A_60], %mul3A_58 {strides = array<i32>} : memref<1x64xf32, #tpu.memory_space<vmem>>, vector<1x64xf32>,
    } else {
    }
    %get3A = arith.constant 0 : index
    %get3A_2 = arith.constant 0 : index
    %get3A_3 = vector.load %arg1[%get3A, %get3A_2] : memref<10000x128xf32, #tpu.memory_space<vmem>>, vector<10000x128xf32>
    %get3A_4 = arith.constant 0 : index
    %get3A_5 = arith.constant 0 : index
    %get3A_6 = vector.load %arg2[%get3A_4, %get3A_5] : memref<128x64xf32, #tpu.memory_space<vmem>>, vector<128x64xf32>
    %get3A_7 = arith.constant 0 : index
    %get3A_8 = arith.constant 0 : index
    %get3A_9 = vector.load %arg6[%get3A_7, %get3A_8] : memref<1x64xf32, #tpu.memory_space<vmem>>, vector<1x64xf32>
    %dot_general3A = arith.constant dense<0.000000e+00> : vector<10000x64xf32>
    %dot_general3A_10 = tpu.matmul %get3A_3, %get3A_6, %dot_general3A {dimension_numbers = #tpu.dot_dimension_numbers<[1], [0], [0], [1], [0, 0, 1, 1], [], []>, transpose_lhs_hint = false} : vector<10000x128xf32>, vector<128x64xf32>, vector<10000x64xf32> -> vector<10000x64xf32>
    %add3A = vector.broadcast %get3A_9 : vector<1x64xf32> to vector<10000x64xf32>
    %add3A_11 = arith.addf %add3A, %dot_general3A_10 : vector<10000x64xf32>
    %reduce_min3A = arith.constant dense<0x7F800000> : vector<10000xf32>
    %reduce_min3A_12 = vector.multi_reduction <minimumf>, %add3A_11, %reduce_min3A [1] : vector<10000x64xf32> to vector<10000xf32>
    %broadcast_in_dim3A = vector.shape_cast %reduce_min3A_12 : vector<10000xf32> to vector<10000x1xf32>
    %eq3A_13 = vector.broadcast %broadcast_in_dim3A : vector<10000x1xf32> to vector<10000x64xf32>
    %eq3A_14 = arith.cmpf oeq, %add3A_11, %eq3A_13 : vector<10000x64xf32>
    %jit3A = arith.constant 1.000000e+00 : f32
    %jit3A_15 = arith.constant 0.000000e+00 : f32
    %broadcast_in_dim3A_16 = vector.broadcast %jit3A : f32 to vector<10000x64xf32>
    %broadcast_in_dim3A_17 = vector.broadcast %jit3A_15 : f32 to vector<10000x64xf32>
    %select_n3A = arith.select %eq3A_14, %broadcast_in_dim3A_16, %broadcast_in_dim3A_17 : vector<10000x64xi1>, vector<10000x64xf32>
    %get3A_18 = arith.constant 0 : index
    %get3A_19 = arith.constant 0 : index
    %get3A_20 = vector.load %arg4[%get3A_18, %get3A_19] : memref<192x128xf32, #tpu.memory_space<vmem>>, vector<64x128xf32>
    %dot_general3A_21 = arith.constant dense<0.000000e+00> : vector<64x128xf32>
    %dot_general3A_22 = tpu.matmul %select_n3A, %get3A_3, %dot_general3A_21 {dimension_numbers = #tpu.dot_dimension_numbers<[0], [0], [1], [1], [0, 1, 1, 1], [], []>, transpose_lhs_hint = false} : vector<10000x64xf32>, vector<10000x128xf32>, vector<64x128xf32> -> vector<64x128xf32>
    %add3A_23 = arith.addf %get3A_20, %dot_general3A_22 : vector<64x128xf32>
    %swap3A = arith.constant 0 : index
    %swap3A_24 = arith.constant 0 : index
    %swap3A_25 = vector.load %arg4[%swap3A, %swap3A_24] : memref<192x128xf32, #tpu.memory_space<vmem>>, vector<64x128xf32>
    tpu.vector_store %arg4[%swap3A, %swap3A_24], %add3A_23 {strides = array<i32>} : memref<192x128xf32, #tpu.memory_space<vmem>>, vector<64x128xf32>,
    %get3A_26 = arith.constant 0 : index
    %get3A_27 = arith.constant 0 : index
    %get3A_28 = vector.load %arg5[%get3A_26, %get3A_27] : memref<1x64xf32, #tpu.memory_space<vmem>>, vector<1x64xf32>
    %reduce_sum3A = arith.constant dense<0.000000e+00> : vector<64xf32>
    %reduce_sum3A_29 = vector.multi_reduction <add>, %select_n3A, %reduce_sum3A [0] : vector<10000x64xf32> to vector<64xf32>
    %broadcast_in_dim3A_30 = vector.shape_cast %reduce_sum3A_29 : vector<64xf32> to vector<1x64xf32>
    %add3A_31 = arith.addf %get3A_28, %broadcast_in_dim3A_30 : vector<1x64xf32>
    %swap3A_32 = arith.constant 0 : index
    %swap3A_33 = arith.constant 0 : index
    %swap3A_34 = vector.load %arg5[%swap3A_32, %swap3A_33] : memref<1x64xf32, #tpu.memory_space<vmem>>, vector<1x64xf32>
    tpu.vector_store %arg5[%swap3A_32, %swap3A_33], %add3A_31 {strides = array<i32>} : memref<1x64xf32, #tpu.memory_space<vmem>>, vector<1x64xf32>,
    %eq3A_35 = arith.constant 9 : i32
    %eq3A_36 = arith.cmpi eq, %arg0, %eq3A_35 : i32
    %convert_element_type3A_37 = arith.extui %eq3A_36 : i1 to i32
    %cond3A_38 = arith.constant 0 : i32
    %cond3A_39 = arith.cmpi ne, %convert_element_type3A_37, %cond3A_38 : i32
    scf.if %cond3A_39 {
      %iota3A = tpu.iota {dimensions = array<i32: 0>} : vector<64x64xi32>
      %iota3A_40 = tpu.iota {dimensions = array<i32: 1>} : vector<64x64xi32>
      %eq3A_41 = arith.cmpi eq, %iota3A, %iota3A_40 : vector<64x64xi32>
      %jit3A_42 = arith.constant 1.000000e+00 : f32
      %jit3A_43 = arith.constant 0.000000e+00 : f32
      %broadcast_in_dim3A_44 = vector.broadcast %jit3A_42 : f32 to vector<64x64xf32>
      %broadcast_in_dim3A_45 = vector.broadcast %jit3A_43 : f32 to vector<64x64xf32>
      %select_n3A_46 = arith.select %eq3A_41, %broadcast_in_dim3A_44, %broadcast_in_dim3A_45 : vector<64x64xi1>, vector<64x64xf32>
      %get3A_47 = arith.constant 0 : index
      %get3A_48 = arith.constant 0 : index
      %get3A_49 = vector.load %arg5[%get3A_47, %get3A_48] : memref<1x64xf32, #tpu.memory_space<vmem>>, vector<1x64xf32>
      %dot_general3A_50 = arith.constant dense<0.000000e+00> : vector<64x1xf32>
      %dot_general3A_51 = tpu.matmul %select_n3A_46, %get3A_49, %dot_general3A_50 {dimension_numbers = #tpu.dot_dimension_numbers<[1], [1], [0], [0], [0, 0, 1, 0], [], []>, transpose_lhs_hint = false} : vector<64x64xf32>, vector<1x64xf32>, vector<64x1xf32> -> vector<64x1xf32>
      %broadcast_in_dim3A_52 = vector.shape_cast %dot_general3A_51 : vector<64x1xf32> to vector<64x1xf32>
      %broadcast_in_dim3A_53 = vector.broadcast %broadcast_in_dim3A_52 : vector<64x1xf32> to vector<64x128xf32>
      %swap3A_54 = arith.constant 64 : index
      %swap3A_55 = arith.constant 0 : index
      %swap3A_56 = vector.load %arg4[%swap3A_54, %swap3A_55] : memref<192x128xf32, #tpu.memory_space<vmem>>, vector<64x128xf32>
      tpu.vector_store %arg4[%swap3A_54, %swap3A_55], %broadcast_in_dim3A_53 {strides = array<i32>} : memref<192x128xf32, #tpu.memory_space<vmem>>, vector<64x128xf32>,
      %get3A_57 = arith.constant 0 : index
      %get3A_58 = arith.constant 0 : index
      %get3A_59 = vector.load %arg3[%get3A_57, %get3A_58] : memref<64x128xf32, #tpu.memory_space<vmem>>, vector<64x128xf32>
      %swap3A_60 = arith.constant 128 : index
      %swap3A_61 = arith.constant 0 : index
      %swap3A_62 = vector.load %arg4[%swap3A_60, %swap3A_61] : memref<192x128xf32, #tpu.memory_space<vmem>>, vector<64x128xf32>
      tpu.vector_store %arg4[%swap3A_60, %swap3A_61], %get3A_59 {strides = array<i32>} : memref<192x128xf32, #tpu.memory_space<vmem>>, vector<64x128xf32>,
    } else {
    }
    return
  }
  func.func @transform_0(%arg0: i32) -> (i32, i32) {
    %c0_i32 = arith.constant 0 : i32
    %c0_i32_0 = arith.constant 0 : i32
    return %arg0, %c0_i32 : i32, i32
  }
  func.func @transform_1(%arg0: i32) -> (i32, i32) {
    %c0_i32 = arith.constant 0 : i32
    %c0_i32_0 = arith.constant 0 : i32
    %c0_i32_1 = arith.constant 0 : i32
    return %c0_i32, %c0_i32_0 : i32, i32
  }
  func.func @transform_2(%arg0: i32) -> (i32, i32) {
    %c0_i32 = arith.constant 0 : i32
    %c0_i32_0 = arith.constant 0 : i32
    %c0_i32_1 = arith.constant 0 : i32
    return %c0_i32, %c0_i32_0 : i32, i32
  }
  func.func @transform_3(%arg0: i32) -> (i32, i32) {
    %c0_i32 = arith.constant 0 : i32
    %c0_i32_0 = arith.constant 0 : i32
    %c0_i32_1 = arith.constant 0 : i32
    return %c0_i32, %c0_i32_0 : i32, i32
  }
}

</mosaic_0001>

<sc_bundles>
// kernel: kernel.4.cloned.1.call-start
scs
__scs_entry_jumppad:
0x0: {  	(pc) =	sbr.rel $0x88, $3  }
0x1: {  	(tag) =	ssettag $0x0;
	lr =	simm.s32 $0x1  }
0x2: {  	[smem:$0x3F9F] =	sst lr;
	_ =	strace $0xD0000000  }
0x3: {  	_ = 	snop  }
0x4: {  	_ = 	snop  }
0x5: {  	_ = 	snop  }
0x6: {  	_ = 	snop  }
0x7: {  	_ = 	snop  }
__scs_overlays_trampoline_lowered:
0x8: {  	[smem:$0x3FAE] =	sst s0  }
0x9: {  	[smem:$0x3FAF] =	sst s1  }
0xa: {  	[smem:$0x3FB0] =	sst s2  }
0xb: {  	[smem:$0x3FB1] =	sst s3  }
0xc: {  	[smem:$0x3FB2] =	sst s4  }
0xd: {  	[smem:$0x3FB3] =	sst s5  }
0xe: {  	[smem:$0x3FB4] =	sst s6  }
0xf: {  	[smem:$0x3FB5] =	sst s7  }
0x10: {  	[smem:$0x3FB6] =	sst s8  }
0x11: {  	[smem:$0x3FB7] =	sst s9;
	s0 =	simm.s32 @!p0 $0x0  }
0x12: {  	s1 =	sld [smem:$0x3F9D];
	s0 =	simm.s32 @p0 $0x1  }
0x13: {  	[smem:$0x3FB8] =	sst s0;
	s0 =	simm.s32 @!p1 $0x0  }
0x14: {  	s2 =	sld [smem:$0x3F9C];
	s0 =	simm.s32 @p1 $0x1  }
0x15: {  	[smem:$0x3FB9] =	sst s0;
	s0 =	simm.s32 @!p2 $0x0  }
0x16: {  	s3 =	sld [smem:$0x3FDB];
	s0 =	simm.s32 @p2 $0x1  }
0x17: {  	s4 =	simm.s32 $0x1BF5;
	[smem:$0x3FBB] =	sst s0  }
0x18: {  	s0 =	sld [smem:$0x3F9E];
	_ =	swait.ge [sflag:s4], $0x0  }
0x19: {  	s7 =	sld [smem:$0x3F9F]  }
0x1a: {  	s8 =	sadd.s32 $0xFFFFE003, lr  }
0x1b: {  	s9 =	sadd.s32 $0xFFFFFEF7, lr;
	s5 =	simm.s32 $0xFFFFFFFF;
	p2 =	slt.u32 s8, $0xFFFFF086  }
0x1c: {  	p1 =	slt.u32 s9, $0xF7A;
	s5 =	simm.s32 @!p2 $0x0  }
0x1d: {  	s5 =	simm.s32 @p1 $0x1;
	p0 =	seq.s32 s7, s2  }
0x1e: {  	s7 =	smul.u32 @!p0 $0xF7A, s2;
	p2 =	seq.s32 @!p0 s5, $0x0  }
0x1f: {  	s9 =	smul.u32 $0xF7A, s1;
	s8 =	simm.s32 @!p0 $0x1BF5;
	p2 =	por !p2, p0  }
0x20: {  	[sflag:s8] =	ssyncset.s32 @!p0 $0xFFFFF086;
	s6 =	sadd.s32 @!p0 s3, s7;
	s7 =	simm.s32 @!p0 $0x108  }
0x21: {  	s3 =	sadd.s32 s3, s9;
	s6 =	sadd.s32 @!p0 $0x88, s6;
	s7 =	simm.s32 @p2 $0x1082  }
0x22: {  	[simem:s7], [sflag:s8] =	dma.local @!p0 [hbm:s6], $0xF7A  }
0x23: {  	s9 =	sor.u32 $0xD0000000, s2;
	s6 =	simm.s32 $0x108;
	_ =	swait.ge @!p0 [sflag:s8], $0x0  }
0x24: {  	s3 =	sadd.s32 $0x88, s3;
	s6 =	simm.s32 @!p1 $0x1082;
	[sflag:s4] =	ssyncset.s32 $0xFFFFF086  }
0x25: {  	[simem:s6], [sflag:s4] =	dma.local [hbm:s3], $0xF7A  }
0x26: {  	[smem:$0x3F9F] =	sst s1;
	(tag) =	ssettag s2;
	_ =	strace s9  }
0x27: {  	s1 =	sld [smem:$0x3FAF]  }
0x28: {  	s2 =	sld [smem:$0x3FB0]  }
0x29: {  	s4 =	sld [smem:$0x3FB2]  }
0x2a: {  	p0 =	seq.s32 s5, $0x0;
	s5 =	sld [smem:$0x3FB3]  }
0x2b: {  	s6 =	sld [smem:$0x3FB4]  }
0x2c: {  	s7 =	sld [smem:$0x3FB5]  }
0x2d: {  	s3 =	simm.s32 $0x108;
	s8 =	sld [smem:$0x3FB6]  }
0x2e: {  	s3 =	simm.s32 @!p0 $0x1082;
	s9 =	sld [smem:$0x3FB7]  }
0x2f: {  	lr =	sadd.s32 s0, s3;
	s0 =	sld [smem:$0x3FAE]  }
0x30: {  	s3 =	sld [smem:$0x3FB1]  }
0x31: {  	[smem:$0x3FBA] =	sst s10  }
0x32: {  	s10 =	sld [smem:$0x3FB8];
	_ =	sdelay $0x3  }
0x33: {  	p0 =	seq.s32 s10, $0x1;
	s10 =	sld [smem:$0x3FBA];
	_ =	sdelay $0x3  }
0x34: {  	[smem:$0x3FBA] =	sst s10  }
0x35: {  	s10 =	sld [smem:$0x3FB9];
	_ =	sdelay $0x3  }
0x36: {  	p1 =	seq.s32 s10, $0x1;
	s10 =	sld [smem:$0x3FBA];
	_ =	sdelay $0x3  }
0x37: {  	[smem:$0x3FBA] =	sst s10  }
0x38: {  	s10 =	sld [smem:$0x3FBB]  }
0x39: {  	_ = 	snop;
	(pc) =	sbr.ind lr, $3  }
0x3a: {  	_ = 	snop  }
0x3b: {  	_ = 	snop  }
0x3c: {  	p2 =	seq.s32 s10, $0x1;
	s10 =	sld [smem:$0x3FBA]  }
0x3d: {  	_ =	shalt  }
0x3e: {  	_ =	shalt  }
0x3f: {  	_ =	shalt  }
0x40: {  	_ =	shalt  }
0x41: {  	_ =	shalt  }
0x42: {  	_ =	shalt  }
0x43: {  	_ =	shalt  }
0x44: {  	_ =	shalt  }
0x45: {  	_ =	shalt  }
0x46: {  	_ =	shalt  }
0x47: {  	_ =	shalt  }
0x48: {  	_ =	shalt  }
0x49: {  	_ =	shalt  }
0x4a: {  	_ =	shalt  }
0x4b: {  	_ =	shalt  }
0x4c: {  	_ =	shalt  }
0x4d: {  	_ =	shalt  }
0x4e: {  	_ =	shalt  }
0x4f: {  	_ =	shalt  }
0x50: {  	_ =	shalt  }
0x51: {  	_ =	shalt  }
0x52: {  	_ =	shalt  }
0x53: {  	_ =	shalt  }
0x54: {  	_ =	shalt  }
0x55: {  	_ =	shalt  }
0x56: {  	_ =	shalt  }
0x57: {  	_ =	shalt  }
0x58: {  	_ =	shalt  }
0x59: {  	_ =	shalt  }
0x5a: {  	_ =	shalt  }
0x5b: {  	_ =	shalt  }
0x5c: {  	_ =	shalt  }
0x5d: {  	_ =	shalt  }
0x5e: {  	_ =	shalt  }
0x5f: {  	_ =	shalt  }
0x60: {  	_ =	shalt  }
0x61: {  	_ =	shalt  }
0x62: {  	_ =	shalt  }
0x63: {  	_ =	shalt  }
0x64: {  	_ =	shalt  }
0x65: {  	_ =	shalt  }
0x66: {  	_ =	shalt  }
0x67: {  	_ =	shalt  }
0x68: {  	_ =	shalt  }
0x69: {  	_ =	shalt  }
0x6a: {  	_ =	shalt  }
0x6b: {  	_ =	shalt  }
0x6c: {  	_ =	shalt  }
0x6d: {  	_ =	shalt  }
0x6e: {  	_ =	shalt  }
0x6f: {  	_ =	shalt  }
0x70: {  	_ =	shalt  }
0x71: {  	_ =	shalt  }
0x72: {  	_ =	shalt  }
0x73: {  	_ =	shalt  }
0x74: {  	_ =	shalt  }
0x75: {  	_ =	shalt  }
0x76: {  	_ =	shalt  }
0x77: {  	_ =	shalt  }
0x78: {  	_ =	shalt  }
0x79: {  	_ =	shalt  }
0x7a: {  	_ =	shalt  }
0x7b: {  	_ =	shalt  }
0x7c: {  	_ =	shalt  }
0x7d: {  	_ =	shalt  }
0x7e: {  	_ =	shalt  }
0x7f: {  	_ =	shalt  }
0x80: {  	_ =	shalt  }
0x81: {  	_ =	shalt  }
0x82: {  	_ =	shalt  }
0x83: {  	_ =	shalt  }
0x84: {  	_ =	shalt  }
0x85: {  	_ =	shalt  }
0x86: {  	_ =	shalt  }
0x87: {  	_ =	shalt  }
.Lfunc_end0:
.L_simem_size_0:
called_computation_lowered:
.L_overlay_start_0:
0x88: {  	s0 =	sld [smem:$0x3FD9]  }
0x89: {  	s1 =	sld [smem:$0x3FFE];
	_ =	sdelay $0x3  }
0x8a: {  	s0 =	sadd.s32 s1, s0  }
0x8b: {  	[smem:$0x3FC6] =	sst s0  }
0x8c: {  	_ = 	snop  }
0x8d: {  	s0 =	sld [smem:$0x3FD0];
	(tm) =	ssettm $0x1  }
0x8e: {  	s16 =	sld [smem:$0x3FFB];
	_ =	sdelay $0x3  }
0x8f: {  	_ =	strace s16  }
0x90: {  	s1 =	sld [smem:$0x3FFC];
	_ =	sdelay $0x3  }
0x91: {  	_ =	strace s1  }
0x92: {  	s1 =	sld [smem:$0x3FFD];
	_ =	sdelay $0x3  }
0x93: {  	_ =	strace s1  }
0x94: {  	_ =	strace $0x8FFFFFFF  }
0x95: {  	s17 =	sld [smem:$0x3FDB];
	_ =	sdelay $0x1  }
0x96: {  	s2 =	simm.s32 $_scs_section_size  }
0x97: {  	s3 =	simm.s32 $_size__tile_overlayer_lowered;
	s4 =	simm.s32 $_tile_overlayer_lowered  }
0x98: {  	s20 =	simm.s32 $0x1BFF;
	s19 =	sshll.u32 s4, $0x1;
	s1 =	sadd.s32 s2, s17  }
0x99: {  	s5 =	simm.s32 $0x0;
	s18 =	sshll.u32 s3, $0x1;
	s3 =	sadd.s32 s19, s1  }
0x9a: {  	[timem:s5], [sflag:s20] =	dma.local [hbm:s3], s18  }
0x9b: {  	_ =	swait.ge [sflag:s20], s18  }
0x9c: {  	s2 =	ssub.s32 $0x0, s18;
	[sflag:s20] =	ssyncset.done $0x0  }
0x9d: {  	[sflag:s20] =	ssyncadd.s32 s2;
	_ =	sdelay $0x1  }
0x9e: {  	s21 =	simm.s32 $0x1B8B  }
0x9f: {  	_ =	swait.ge [sflag:s21], $0x1  }
0xa0: {  	[sflag:s21] =	ssyncset.done $0x0  }
0xa1: {  	s23 =	simm.s32 $0x1B8E;
	s22 =	sld [smem:$0x3FFE];
	[sflag:s21] =	ssyncadd.s32 $0xFFFFFFFF  }
0xa2: {  	s24 =	simm.s32 $execute0_lowered;
	[smem:$0x3FD2] =	sst s23  }
0xa3: {  	s3 =	sshll.u32 s24, $0x1;
	_ =	strace $0x80000046;
	[dreg:$0x1] =	wrdreg $0xFFFFFFFF  }
0xa4: {  	s25 =	simm.s32 $_size_execute0_lowered;
	s1 =	sadd.s32 s1, s3;
	[dreg:$0x0] =	wrdreg $0x0  }
0xa5: {  	s3 =	sshll.u32 s25, $0x1;
	[dreg:$0x2] =	wrdreg s1  }
0xa6: {  	[dreg:$0x3] =	wrdreg s3  }
0xa7: {  	[dreg:$0x4] =	wrdreg $0xC0  }
0xa8: {  	_ =	task [dreg:s5], $0x5FFFF  }
0xa9: {  	[dreg:$0x1] =	wrdreg $0xFFFFFFFF  }
0xaa: {  	[dreg:$0x0] =	wrdreg $0x60  }
0xab: {  	[dreg:$0x2] =	wrdreg s22  }
0xac: {  	[dreg:$0x3] =	wrdreg s0  }
0xad: {  	[dreg:$0x4] =	wrdreg $0x9  }
0xae: {  	_ =	task.clear_ibuf [dreg:s5], $0x5FFFF;
	_ =	strace $0x90000046  }
0xaf: {  	s26 =	simm.s32 $0x9;
	_ =	strace $0x80000048  }
0xb0: {  	_ =	swait.ge [sflag:s26], $0x1  }
0xb1: {  	[sflag:s26] =	ssyncadd.s32 $0xFFFFFFFF  }
0xb2: {  	_ =	strace $0x90000048  }
0xb3: {  	_ =	sfence  }
0xb4: {  	s28 =	sld [smem:$0x0];
	_ =	sdelay $0x1  }
0xb5: {  	s29 =	srdreg.scid  }
0xb6: {  	s30 =	sshll.u32 s29, $0xD;
	s31 =	sshrl.u32 s29, $0x2  }
0xb7: {  	s2 =	sand.u32 $0x4000, s30;
	s1 =	sand.u32 $0x1, s29;
	s0 =	sadd.s32 s31, s28  }
0xb8: {  	s1 =	sor.u32 s2, s1;
	s0 =	sshll.u32 s0, $0x11  }
0xb9: {  	s0 =	sor.u32 s0, s1  }
0xba: {  	s0 =	sadd.s32 $0x8F2B, s0  }
0xbb: {  	[sflag:s0] =	ssyncadd.remote.s32 $0x1  }
0xbc: {  	_ =	sfence.sel $0xFFFF  }
0xbd: {  	[dreg:$0x0] =	wrdreg $0xFFFFFFFF;
	(pc) =	sbr.abs _section_cstart, $3  }
0xbe: {  	[dreg:$0x1] =	wrdreg $0xFFFFFFFF  }
0xbf: {  	_ =	task.clear_ibuf [dreg:s5], $0x2FFFF;
	_ =	strace $0x9FFFFFFF  }
0xc0: {  	(tm) =	ssettm $0x7FFFFFFF  }
0xc1: {  	_ =	shalt  }
tec
execute0_lowered:
.L_overlay_start_1:
0x0: {  	(tag) =	ssettag $0x1  }
0x1: {  	s5 =	rddreg [dreg:$0x0]  }
0x2: {  	s2 =	rddreg [dreg:$0x1];
	s1 =	stileid.u32  }
0x3: {  	s0 =	rddreg [dreg:$0x2];
	s3 =	simm.s32 $0x0;
	s4 =	sshll.u32 s1, $0x6  }
0x4: {  	[smem:$0x7FF] =	sst s3;
	s6 =	sadd.s32 s4, s5  }
0x5: {  	s29 =	simm.s32 $0x1;
	_ =	strace $0x80000047;
	s5 =	sadd.s32 $0x800, s6  }
0x6: {  	[tilespmem:s3], [sflag:$0x1] =	stream.linear.gather [hbm4b:s5+s3], $0x200, $0x38;
	[tilespmem:$0x800] =	vst v63  }
0x7: {  	_ =	swait.ge [sflag:s29], $0x200  }
0x8: {  	[sflag:s29] =	ssyncset.done $0x0  }
0x9: {  	s8 =	simm.s32 $0x200;
	s7 =	sadd.s32 $0xC00, s6;
	[sflag:s29] =	ssyncadd.s32 $0xFFFFFE00  }
0xa: {  	[tilespmem:s8], [sflag:$0x1] =	stream.linear.gather [hbm4b:s7+s3], $0x200, $0x38;
	[tilespmem:$0x800] =	vst v63  }
0xb: {  	_ =	swait.ge [sflag:s29], $0x200  }
0xc: {  	[sflag:s29] =	ssyncset.done $0x0  }
0xd: {  	s30 =	simm.s32 $0x400;
	s6 =	sadd.s32 $0x1000, s6;
	[sflag:s29] =	ssyncadd.s32 $0xFFFFFE00  }
0xe: {  	[tilespmem:s30], [sflag:$0x1] =	stream.linear.gather [hbm4b:s6+s3], $0x200, $0x38;
	[tilespmem:$0x800] =	vst v63  }
0xf: {  	_ =	swait.ge [sflag:s29], $0x200  }
0x10: {  	[sflag:s29] =	ssyncset.done $0x0  }
0x11: {  	[sflag:s29] =	ssyncadd.s32 $0xFFFFFE00  }
0x12: {  	v0 =	vld [tilespmem:$0x0]  }
0x13: {  	v1 =	vld [tilespmem:$0x200]  }
0x14: {  	v2 =	vld [tilespmem:$0x400]  }
0x15: {  	v3 =	vld [tilespmem:$0x10]  }
0x16: {  	v4 =	vld [tilespmem:$0x210]  }
0x17: {  	v5 =	vld [tilespmem:$0x410]  }
0x18: {  	v6 =	vld [tilespmem:$0x20]  }
0x19: {  	v7 =	vld [tilespmem:$0x220]  }
0x1a: {  	v8 =	vld [tilespmem:$0x420]  }
0x1b: {  	v9 =	vld [tilespmem:$0x30]  }
0x1c: {  	v17 =	vld [tilespmem:$0x230]  }
0x1d: {  	v20 =	vld [tilespmem:$0x430]  }
0x1e: {  	v21 =	vld [tilespmem:$0x40]  }
0x1f: {  	v22 =	vld [tilespmem:$0x240]  }
0x20: {  	v23 =	vld [tilespmem:$0x440]  }
0x21: {  	v24 =	vld [tilespmem:$0x50]  }
0x22: {  	v25 =	vld [tilespmem:$0x250]  }
0x23: {  	v26 =	vld [tilespmem:$0x450]  }
0x24: {  	v27 =	vld [tilespmem:$0x60]  }
0x25: {  	v28 =	vld [tilespmem:$0x260]  }
0x26: {  	v29 =	vld [tilespmem:$0x460]  }
0x27: {  	v30 =	vld [tilespmem:$0x70]  }
0x28: {  	v31 =	vld [tilespmem:$0x270]  }
0x29: {  	v32 =	vld [tilespmem:$0x470]  }
0x2a: {  	v33 =	vld [tilespmem:$0x80]  }
0x2b: {  	v34 =	vld [tilespmem:$0x280]  }
0x2c: {  	v35 =	vld [tilespmem:$0x480]  }
0x2d: {  	v36 =	vld [tilespmem:$0x90]  }
0x2e: {  	v37 =	vld [tilespmem:$0x290]  }
0x2f: {  	v38 =	vld [tilespmem:$0x490]  }
0x30: {  	v39 =	vld [tilespmem:$0xA0]  }
0x31: {  	v40 =	vld [tilespmem:$0x2A0]  }
0x32: {  	v41 =	vld [tilespmem:$0x4A0]  }
0x33: {  	v42 =	vld [tilespmem:$0xB0]  }
0x34: {  	v43 =	vld [tilespmem:$0x2B0]  }
0x35: {  	v18 =	vld [tilespmem:$0x4B0]  }
0x36: {  	v44 =	vld [tilespmem:$0xC0]  }
0x37: {  	v45 =	vld [tilespmem:$0x2C0]  }
0x38: {  	v46 =	vld [tilespmem:$0x4C0]  }
0x39: {  	v47 =	vld [tilespmem:$0xD0]  }
0x3a: {  	v48 =	vld [tilespmem:$0x2D0]  }
0x3b: {  	v49 =	vld [tilespmem:$0x4D0]  }
0x3c: {  	v50 =	vld [tilespmem:$0xE0];
	v10 =	vmax.f32 v1, $1.000000000e+00  }
0x3d: {  	v19 =	vld [tilespmem:$0x2E0];
	(erf) = vrcp.f32 v10  }
0x3e: {  	v51 =	vld [tilespmem:$0xF0];
	v58 =	vmax.f32 v4, $1.000000000e+00  }
0x3f: {  	v15 =	vld [tilespmem:$0x2F0];
	v59 =	vmax.f32 v7, $1.000000000e+00;
	(erf) = vrcp.f32 v58  }
0x40: {  	v52 =	vld [tilespmem:$0x100];
	v11 =	vmax.f32 v17, $1.000000000e+00;
	(erf) = vrcp.f32 v59  }
0x41: {  	v53 =	vld [tilespmem:$0x300];
	(erf) = vrcp.f32 v11  }
0x42: {  	v54 =	vld [tilespmem:$0x500];
	v12 =	vmax.f32 v22, $1.000000000e+00  }
0x43: {  	v16 =	vld [tilespmem:$0x110];
	v60 =	vmax.f32 v25, $1.000000000e+00;
	vm0 =	vgt.f32 v1, $0.0e+00;
	v62 =	vmax.f32 v28, $1.000000000e+00  }
0x44: {  	v14 =	vld [tilespmem:$0x510];
	v63 =	vmax.f32 v31, $1.000000000e+00;
	vm11 =	vgt.f32 v4, $0.0e+00;
	(erf) = vrcp.f32 v12  }
0x45: {  	vm12 =	vgt.f32 v7, $0.0e+00;
	v7 =	vld [tilespmem:$0x320];
	vm1 =	vgt.f32 v17, $0.0e+00;
	(erf) = vrcp.f32 v60  }
0x46: {  	vm13 =	vgt.f32 v22, $0.0e+00;
	v22 =	vmax.f32 v43, $1.000000000e+00;
	vm14 =	vgt.f32 v25, $0.0e+00;
	v10 =	vld [tilespmem:$0x4E0];
	v13 =	vpop (erf)  }
0x47: {  	vm5 =	vgt.f32 v37, $0.0e+00;
	v11 =	vld [tilespmem:$0x4F0];
	(erf) = vrcp.f32 v62;
	v0 =	vmul.f32 v13, v0  }
0x48: {  	v12 =	vld [tilespmem:$0x120];
	v60 =	vmax.f32 v34, $1.000000000e+00;
	(erf) = vrcp.f32 v63;
	v63 =	vmax.f32 v37, $1.000000000e+00;
	v61 =	vpop (erf)  }
0x49: {  	v37 =	vld [tilespmem:$0x180];
	(erf) = vrcp.f32 v60;
	v4 =	vpop (erf);
	v55 =	vsel vm0, v0, v2;
	v0 =	vmul.f32 v61, v3  }
0x4a: {  	vm15 =	vgt.f32 v28, $0.0e+00;
	(erf) = vrcp.f32 v63;
	v13 =	vld [tilespmem:$0x310];
	v61 =	vpop (erf);
	v62 =	vmul.f32 v4, v6  }
0x4b: {  	v6 =	vld [tilespmem:$0x520];
	v56 =	vsel vm11, v0, v5;
	v0 =	vmul.f32 v61, v9;
	v9 =	vmax.f32 v40, $1.000000000e+00  }
0x4c: {  	v28 =	vmax.f32 v15, $1.000000000e+00;
	vm4 =	vgt.f32 v31, $0.0e+00;
	v4 =	vld [tilespmem:$0x130];
	(erf) = vrcp.f32 v9  }
0x4d: {  	vm2 =	vgt.f32 v34, $0.0e+00;
	vm6 =	vgt.f32 v40, $0.0e+00;
	vm7 =	vgt.f32 v43, $0.0e+00;
	v3 =	vld [tilespmem:$0x530];
	v17 =	vpop (erf)  }
0x4e: {  	v2 =	vld [tilespmem:$0x140];
	v20 =	vsel vm1, v0, v20;
	v0 =	vmul.f32 v17, v21;
	v21 =	vpop (erf);
	(erf) = vrcp.f32 v22  }
0x4f: {  	vm8 =	vgt.f32 v45, $0.0e+00;
	vm9 =	vgt.f32 v48, $0.0e+00;
	vm10 =	vgt.f32 v19, $0.0e+00;
	v5 =	vld [tilespmem:$0x330]  }
0x50: {  	v57 =	vsel vm12, v62, v8;
	v8 =	vld [tilespmem:$0x350];
	v1 =	vmul.f32 v21, v24;
	v24 =	vmax.f32 v45, $1.000000000e+00;
	v59 =	vpop (erf)  }
0x51: {  	v58 =	vmax.f32 v48, $1.000000000e+00;
	v62 =	vmax.f32 v19, $1.000000000e+00;
	v19 =	vld [tilespmem:$0x3C0];
	(erf) = vrcp.f32 v24;
	v61 =	vpop (erf)  }
0x52: {  	[tilespmem:$0x600] =	vst v55;
	v55 =	vmax.f32 v7, $1.000000000e+00;
	v9 =	vld [tilespmem:$0x550];
	v60 =	vmul.f32 v59, v27;
	(erf) = vrcp.f32 v58;
	v27 =	vpop (erf)  }
0x53: {  	vm11 =	vgt.f32 v15, $0.0e+00;
	[tilespmem:$0x610] =	vst v56;
	v56 =	vld [tilespmem:$0x1B0];
	v63 =	vmul.f32 v61, v30;
	v30 =	vmul.f32 v27, v33  }
0x54: {  	vm12 =	vgt.f32 v53, $0.0e+00;
	v17 =	vld [tilespmem:$0x150];
	v22 =	vsel vm14, v1, v26;
	(erf) = vrcp.f32 v62;
	v34 =	vpop (erf)  }
0x55: {  	v1 =	vld [tilespmem:$0x340];
	v33 =	vmax.f32 v53, $1.000000000e+00;
	(erf) = vrcp.f32 v28;
	v25 =	vsel vm2, v30, v35;
	v35 =	vpop (erf)  }
0x56: {  	[tilespmem:$0x630] =	vst v20;
	v20 =	vld [tilespmem:$0x5C0];
	(erf) = vrcp.f32 v33;
	v27 =	vmul.f32 v35, v39;
	v39 =	vmax.f32 v13, $1.000000000e+00  }
0x57: {  	v21 =	vsel vm13, v0, v23;
	vm13 =	vgt.f32 v13, $0.0e+00;
	v30 =	vld [tilespmem:$0x360];
	v40 =	vpop (erf);
	(erf) = vrcp.f32 v39  }
0x58: {  	v61 =	vmax.f32 v5, $1.000000000e+00;
	vm14 =	vgt.f32 v7, $0.0e+00;
	v26 =	vmul.f32 v34, v36;
	v36 =	vld [tilespmem:$0x370]  }
0x59: {  	v0 =	vld [tilespmem:$0x540];
	v23 =	vsel vm15, v60, v29;
	vm15 =	vgt.f32 v5, $0.0e+00;
	v24 =	vsel vm4, v63, v32  }
0x5a: {  	[tilespmem:$0x670] =	vst v24;
	v24 =	vld [tilespmem:$0x3A0];
	v26 =	vsel vm5, v26, v38;
	v38 =	vmax.f32 v1, $1.000000000e+00;
	vm4 =	vgt.f32 v1, $0.0e+00  }
0x5b: {  	[tilespmem:$0x650] =	vst v22;
	v22 =	vld [tilespmem:$0x390];
	v31 =	vmul.f32 v40, v42;
	v27 =	vsel vm6, v27, v41;
	v43 =	vpop (erf);
	v41 =	vmax.f32 v8, $1.000000000e+00  }
0x5c: {  	[tilespmem:$0x660] =	vst v23;
	v23 =	vld [tilespmem:$0x3B0];
	v42 =	vmax.f32 v30, $1.000000000e+00;
	vm6 =	vgt.f32 v30, $0.0e+00;
	v32 =	vmul.f32 v43, v44;
	v44 =	vpop (erf)  }
0x5d: {  	v39 =	vld [tilespmem:$0x380];
	(erf) = vrcp.f32 v55;
	v18 =	vsel vm7, v31, v18;
	v43 =	vmax.f32 v36, $1.000000000e+00;
	v58 =	vpop (erf)  }
0x5e: {  	[tilespmem:$0x640] =	vst v21;
	v21 =	vld [tilespmem:$0x190];
	vm7 =	vgt.f32 v36, $0.0e+00;
	v34 =	vmul.f32 v44, v47;
	v60 =	vpop (erf);
	(erf) = vrcp.f32 v61  }
0x5f: {  	[tilespmem:$0x620] =	vst v57;
	v29 =	vld [tilespmem:$0x560];
	v47 =	vmax.f32 v24, $1.000000000e+00;
	v57 =	vsel vm8, v32, v46;
	v63 =	vpop (erf);
	(erf) = vrcp.f32 v38  }
0x60: {  	[tilespmem:$0x680] =	vst v25;
	v13 =	vld [tilespmem:$0x3F0];
	v32 =	vmul.f32 v58, v50;
	v46 =	vmax.f32 v22, $1.000000000e+00;
	(erf) = vrcp.f32 v41;
	v40 =	vpop (erf)  }
0x61: {  	v53 =	vld [tilespmem:$0x5A0];
	[tilespmem:$0x690] =	vst v26;
	v50 =	vmax.f32 v23, $1.000000000e+00;
	(erf) = vrcp.f32 v42;
	v16 =	vmul.f32 v40, v16  }
0x62: {  	v25 =	vld [tilespmem:$0x3D0];
	[tilespmem:$0x6A0] =	vst v27;
	v59 =	vsel vm9, v34, v49;
	v45 =	vmax.f32 v39, $1.000000000e+00;
	(erf) = vrcp.f32 v43  }
0x63: {  	[tilespmem:$0x6B0] =	vst v18;
	v62 =	vmul.f32 v60, v51;
	(erf) = vrcp.f32 v45;
	v14 =	vsel vm13, v16, v14;
	v16 =	vld [tilespmem:$0x3E0]  }
0x64: {  	v28 =	vld [tilespmem:$0x160];
	[tilespmem:$0x6C0] =	vst v57;
	v10 =	vsel vm10, v32, v10;
	v32 =	vmul.f32 v63, v52;
	(erf) = vrcp.f32 v46  }
0x65: {  	v33 =	vld [tilespmem:$0x170];
	v60 =	vmax.f32 v13, $1.000000000e+00;
	[tilespmem:$0x6D0] =	vst v59;
	v52 =	vmax.f32 v19, $1.000000000e+00;
	(erf) = vrcp.f32 v47  }
0x66: {  	v35 =	vld [tilespmem:$0x570];
	v11 =	vsel vm11, v62, v11;
	[tilespmem:$0x6E0] =	vst v10;
	v15 =	vsel vm12, v32, v54;
	v44 =	vpop (erf);
	(erf) = vrcp.f32 v50  }
0x67: {  	v30 =	vld [tilespmem:$0x1D0];
	[tilespmem:$0x6F0] =	vst v11;
	v54 =	vmax.f32 v25, $1.000000000e+00;
	v12 =	vmul.f32 v44, v12;
	v48 =	vpop (erf);
	(erf) = vrcp.f32 v52  }
0x68: {  	v36 =	vld [tilespmem:$0x5D0];
	[tilespmem:$0x700] =	vst v15;
	v4 =	vmul.f32 v48, v4;
	v55 =	vpop (erf);
	(erf) = vrcp.f32 v54;
	v57 =	vmax.f32 v16, $1.000000000e+00  }
0x69: {  	v34 =	vld [tilespmem:$0x580];
	[tilespmem:$0x710] =	vst v14;
	v6 =	vsel vm14, v12, v6;
	v2 =	vmul.f32 v55, v2;
	v58 =	vpop (erf);
	(erf) = vrcp.f32 v57  }
0x6a: {  	v51 =	vld [tilespmem:$0x1A0];
	[tilespmem:$0x720] =	vst v6;
	v3 =	vsel vm15, v4, v3;
	v61 =	vmul.f32 v58, v17;
	v62 =	vpop (erf);
	(erf) = vrcp.f32 v60  }
0x6b: {  	vm5 =	vgt.f32 v8, $0.0e+00;
	v49 =	vld [tilespmem:$0x590];
	[tilespmem:$0x730] =	vst v3;
	v0 =	vsel vm4, v2, v0;
	v15 =	vpop (erf);
	v17 =	vmul.f32 v62, v28  }
0x6c: {  	v63 =	vld [tilespmem:$0x1C0];
	[tilespmem:$0x740] =	vst v0;
	v27 =	vsel vm5, v61, v9;
	v26 =	vpop (erf);
	v28 =	vmul.f32 v15, v33  }
0x6d: {  	v59 =	vld [tilespmem:$0x5B0];
	[tilespmem:$0x750] =	vst v27;
	v31 =	vpop (erf);
	v32 =	vsel vm6, v17, v29;
	v33 =	vmul.f32 v26, v37  }
0x6e: {  	vm8 =	vgt.f32 v39, $0.0e+00;
	v41 =	vld [tilespmem:$0x1E0];
	v37 =	vpop (erf);
	[tilespmem:$0x760] =	vst v32;
	v38 =	vsel vm7, v28, v35;
	v40 =	vmul.f32 v31, v21  }
0x6f: {  	vm9 =	vgt.f32 v22, $0.0e+00;
	v45 =	vld [tilespmem:$0x1F0];
	v42 =	vpop (erf);
	[tilespmem:$0x770] =	vst v38;
	v43 =	vsel vm8, v33, v34;
	v44 =	vmul.f32 v37, v51  }
0x70: {  	vm10 =	vgt.f32 v24, $0.0e+00;
	v46 =	vpop (erf);
	[tilespmem:$0x780] =	vst v43;
	v47 =	vsel vm9, v40, v49;
	v48 =	vmul.f32 v42, v56;
	v49 =	vld [tilespmem:$0x5E0]  }
0x71: {  	vm11 =	vgt.f32 v23, $0.0e+00;
	v50 =	vpop (erf);
	[tilespmem:$0x790] =	vst v47;
	v51 =	vsel vm10, v44, v53;
	v52 =	vmul.f32 v46, v63;
	v53 =	vld [tilespmem:$0x5F0]  }
0x72: {  	vm12 =	vgt.f32 v19, $0.0e+00;
	[tilespmem:$0x7A0] =	vst v51;
	v55 =	vsel vm11, v48, v59;
	v56 =	vmul.f32 v50, v30;
	v54 =	vpop (erf)  }
0x73: {  	vm13 =	vgt.f32 v25, $0.0e+00;
	[tilespmem:$0x7B0] =	vst v55;
	v57 =	vsel vm12, v52, v20;
	v58 =	vmul.f32 v54, v41;
	v59 =	vpop (erf)  }
0x74: {  	vm14 =	vgt.f32 v16, $0.0e+00;
	[tilespmem:$0x7C0] =	vst v57;
	v60 =	vsel vm13, v56, v36;
	v61 =	vmul.f32 v59, v45  }
0x75: {  	vm15 =	vgt.f32 v13, $0.0e+00;
	[tilespmem:$0x7D0] =	vst v60;
	v62 =	vsel vm14, v58, v49  }
0x76: {  	[tilespmem:$0x7E0] =	vst v62;
	v63 =	vsel vm15, v61, v53  }
0x77: {  	s31 =	simm.s32 $0x600;
	s2 =	sadd.s32 s2, s4;
	[tilespmem:$0x7F0] =	vst v63  }
0x78: {  	[hbm4b:s2+s3] =	stream.linear.scatter [tilespmem:s31], [sflag:$0x1], $0x200, $0x38;
	[tilespmem:$0x800] =	vst v63  }
0x79: {  	_ =	swait.ge [sflag:s29], $0x200  }
0x7a: {  	[sflag:s29] =	ssyncset.done $0x0  }
0x7b: {  	[sflag:s29] =	ssyncadd.s32 $0xFFFFFE00  }
0x7c: {  	_ =	sfence.sel $0x180000  }
0x7d: {  	[bflag:$0x0] =	sbarrier.arrive $0xFFFF  }
0x7e: {  	p0 =	sne.s32 s1, $0x0;
	_ =	strace $0x90000047  }
0x7f: {  	s0 =	sadd.s32 @!p0 $0x100000, s0;
	[bflag:$0x2] =	sbarrier.arrive $0xFFFF  }
0x80: {  	[sflag:s0] =	ssyncadd.tile.s32 @!p0 $0x1;
	_ =	shalt  }
.Lfunc_end2:
_tile_overlayer_lowered:
.L_overlay_start_2:
0x81: {  	(tag) =	ssettag $0x2  }
0x82: {  	s0 =	rddreg [dreg:$0x0];
	s2 =	stileid.u32  }
0x83: {  	s1 =	rddreg [dreg:$0x1];
	p0 =	sne.s32 s2, $0x0  }
0x84: {  	s3 =	rddreg [dreg:$0x2];
	[bflag:$0x3] =	sbarrier.arrive $0xFFFF;
	s2 =	simm.s32 @!p0 $0x1C01  }
0x85: {  	[timem:s3], [sflag:s2] =	dma.local @!p0 [hbm:s0], s1  }
0x86: {  	s0 =	simm.s32 @!p0 $0x1  }
0x87: {  	_ =	swait.ge @!p0 [sflag:s0], s1  }
0x88: {  	s1 =	ssub.s32 @!p0 $0x0, s1;
	[sflag:s0] =	ssyncset.done @!p0 $0x0  }
0x89: {  	[sflag:s0] =	ssyncadd.s32 @!p0 s1  }
0x8a: {  	[bflag:$0x3] =	sbarrier.arrive $0xFFFF  }
0x8b: {  	_ =	shalt  }

</sc_bundles>
